<compile_context>
chip_gen: v7x
topology: tpu7x:2x2x1
jax: 0.10.2.dev20260603
libtpu: 0.0.44.dev20260713+nightly
codegen_flags: <defaults>
</compile_context>

<pallas_src>
import functools

import jax
import jax.numpy as jnp
from jax import lax
from jax.experimental import pallas as pl
from jax.experimental.pallas import tpu as pltpu
from jax.experimental.pallas import tpu_sc as plsc

C0, C1 = 128, 72


@functools.lru_cache(maxsize=None)
def _make_gather(V, D, B, S):
    info = plsc.get_sparse_core_info()
    NC, NS = info.num_cores, info.num_subcores
    NW = NC * NS
    rows_w = B // NW
    assert B % NW == 0 and S == C0 + C1

    mesh = plsc.VectorSubcoreMesh(core_axis_name="c", subcore_axis_name="s")

    @functools.partial(
        pl.kernel,
        mesh=mesh,
        out_type=jax.ShapeDtypeStruct((B * S, D), jnp.float32),
        compiler_params=pltpu.CompilerParams(use_tc_tiling_on_sc=True),
        scratch_types=[
            pltpu.VMEM((rows_w, S), jnp.int32),
            pltpu.VMEM((2, C0, 128), jnp.float32),
            pltpu.VMEM((2, C0, D), jnp.float32),
            pltpu.SemaphoreType.DMA,
            pltpu.SemaphoreType.DMA,
        ],
    )
    def k(table_hbm, idx_hbm, out_hbm, idx_v, gbufs, cbufs, sem_g, sem_w):
        wid = lax.axis_index("s") * NC + lax.axis_index("c")
        base = wid * rows_w

        pltpu.sync_copy(idx_hbm.at[pl.ds(base, rows_w)], idx_v)

        def fire(r, off, n, gbuf):
            h = n // 2 // 8 * 8
            for o, m in ((0, h), (h, n - h)):
                pltpu.async_copy(
                    table_hbm.at[idx_v.at[r, pl.ds(off + o, m)]],
                    gbuf.at[pl.ds(o, m), :],
                    sem_g,
                )

        def drain_gather(n, gbuf):
            pltpu.make_async_copy(
                table_hbm.at[pl.ds(0, n)], gbuf.at[pl.ds(0, n), :], sem_g
            ).wait()

        def compact(n, gbuf, cbuf):
            assert n % 4 == 0

            def rows4(i, c):
                r = i * 4
                for dr in range(4):
                    for j in range(D // 16):
                        cbuf[r + dr, pl.ds(j * 16, 16)] = gbuf[
                            r + dr, pl.ds(j * 16, 16)
                        ]
                return c

            lax.fori_loop(0, n // 4, rows4, 0)

        def fire_wb(r, off, n, cbuf):
            pltpu.async_copy(
                cbuf.at[pl.ds(0, n), :],
                out_hbm.at[pl.ds((base + r) * S + off, n)],
                sem_w,
            )

        def drain_wb(n, cbuf):
            pltpu.make_async_copy(
                cbuf.at[pl.ds(0, n), :], out_hbm.at[pl.ds(0, n)], sem_w
            ).wait()

        g0, g1 = gbufs.at[0], gbufs.at[1]
        c0, c1 = cbufs.at[0], cbufs.at[1]

        fire(0, 0, C0, g0)

        def body(r, carry):
            fire(r, C0, C1, g1)
            drain_gather(C0, g0)

            @pl.when(r > 0)
            def _():
                drain_wb(C0, c0)

            compact(C0, g0, c0)
            fire_wb(r, 0, C0, c0)

            @pl.when(r < rows_w - 1)
            def _():
                fire(r + 1, 0, C0, g0)

            drain_gather(C1, g1)

            @pl.when(r > 0)
            def _():
                drain_wb(C1, c1)

            compact(C1, g1, c1)
            fire_wb(r, C0, C1, c1)
            return carry

        lax.fori_loop(0, rows_w, body, 0)
        drain_wb(C0, c0)
        drain_wb(C1, c1)

    return k


def kernel(x, table):
    B, S = x.shape
    V, D = table.shape
    table_p = jnp.pad(table, ((0, 0), (0, 128 - D)))
    out = _make_gather(V, D, B, S)(table_p, x.astype(jnp.int32))
    return out.reshape(B, S, D)

# --- scband reference (transcript-rebuilt; emitter-appended) ---
"""Pipeline reference for scband-graph-sagespatial-embedding-11957188952591 (READ-ONLY COPY).

The authoritative reference and input builder live on the scoring server;
editing this copy changes nothing except your own understanding.
"""

import jax, jax.numpy as jnp
import numpy as np

VOCAB = 1000000
EMBED_DIM = 64
BATCH = 4096
SEQ = 200

def setup_inputs(seed: int = 0) -> dict:
    key = jax.random.key(seed)
    k1, k2 = jax.random.split(key)
    # pretrained weights [VOCAB, EMBED_DIM] + one extra random row appended (per module __init__)
    table = jax.random.normal(k1, (VOCAB + 1, EMBED_DIM), dtype=jnp.float32)
    x = jax.random.randint(k2, (BATCH, SEQ), 0, VOCAB + 1, dtype=jnp.int64)
    return {"x": x, "table": table}

def reference(x, table):
    # nn.Embedding.from_pretrained(...)(x) == gather rows of the table
    return jnp.take(table, x, axis=0)

if __name__ == "__main__":
    import jax
    _d = setup_inputs()
    print(jax.jit(kernel)(*tuple(_d.values())))

</pallas_src>

<mosaic_0001>
#map = affine_map<(d0, d1) -> (0, 0)>
module attributes {stable_mosaic.version = 14 : i64} {
  func.func @k(%arg0: i32, %arg1: i32, %arg2: memref<1000001x128xf32, #tpu.memory_space<hbm>>, %arg3: memref<4096x200xi32, #tpu.memory_space<hbm>>, %arg4: memref<819200x64xf32, #tpu.memory_space<hbm>>, %arg5: memref<128x200xi32, #tpu.memory_space<vmem>>, %arg6: memref<2x128x128xf32, #tpu.memory_space<vmem>>, %arg7: memref<2x128x64xf32, #tpu.memory_space<vmem>>, %arg8: memref<!tpu.dma_semaphore, #tpu.memory_space<semaphore_mem>>, %arg9: memref<!tpu.dma_semaphore, #tpu.memory_space<semaphore_mem>>) attributes {dimension_semantics = [#tpu.dimension_semantics<core_parallel>, #tpu.dimension_semantics<subcore_parallel>], iteration_bounds = array<i64: 2, 16>, scalar_prefetch = 0 : i64, scratch_operands = 5 : i64, tpu.core_type = #tpu.core_type<sc_vector_subcore>, window_params = [{transform_indices = #map}, {transform_indices = #map}, {transform_indices = #map}]} {
    %mul3A = arith.constant 2 : i32
    %mul3A_0 = arith.muli %arg1, %mul3A : i32
    %add3A = arith.addi %mul3A_0, %arg0 : i32
    %mul3A_1 = arith.constant 128 : i32
    %mul3A_2 = arith.muli %add3A, %mul3A_1 : i32
    "tpu.region"() ({
      %run_scoped3A = tpu.sem_alloc : memref<!tpu.dma_semaphore, #tpu.memory_space<semaphore_mem>>
      %dma_start3A_82 = arith.constant 0 : i32
      %dma_start3A_83 = tpu.memref_slice %arg3[%mul3A_2, %dma_start3A_82] : memref<4096x200xi32, #tpu.memory_space<hbm>> -> memref<128x200xi32, #tpu.memory_space<hbm>>
      %dma_start3A_84 = arith.constant 0 : i32
      %dma_start3A_85 = tpu.memref_slice %arg3[%mul3A_2, %dma_start3A_84] : memref<4096x200xi32, #tpu.memory_space<hbm>> -> memref<128x200xi32, #tpu.memory_space<hbm>>
      tpu.enqueue_dma source(%dma_start3A_85 : memref<128x200xi32, #tpu.memory_space<hbm>>) target(%arg5 : memref<128x200xi32, #tpu.memory_space<vmem>>) target_semaphore(%run_scoped3A : memref<!tpu.dma_semaphore, #tpu.memory_space<semaphore_mem>>)
      %dma_wait3A_86 = arith.constant 0 : i32
      %dma_wait3A_87 = tpu.memref_slice %arg3[%mul3A_2, %dma_wait3A_86] : memref<4096x200xi32, #tpu.memory_space<hbm>> -> memref<128x200xi32, #tpu.memory_space<hbm>>
      %dma_wait3A_88 = arith.constant 0 : i32
      %dma_wait3A_89 = tpu.memref_slice %arg3[%mul3A_2, %dma_wait3A_88] : memref<4096x200xi32, #tpu.memory_space<hbm>> -> memref<128x200xi32, #tpu.memory_space<hbm>>
      tpu.wait_dma2 semaphore(%run_scoped3A : memref<!tpu.dma_semaphore, #tpu.memory_space<semaphore_mem>>) src(%dma_wait3A_89 : memref<128x200xi32, #tpu.memory_space<hbm>>) dst(%arg5 : memref<128x200xi32, #tpu.memory_space<vmem>>)
      tpu.yield
    }) : () -> ()
    %dma_start3A = arith.constant 0 : i32
    %dma_start3A_3 = arith.constant 0 : i32
    %dma_start3A_4 = arith.constant 0 : i32
    %dma_start3A_5 = arith.constant 0 : i32
    %dma_start3A_6 = tpu.memref_slice %arg6[%dma_start3A_3, %dma_start3A_4, %dma_start3A_5] : memref<2x128x128xf32, #tpu.memory_space<vmem>> -> memref<1x128x128xf32, #tpu.memory_space<vmem>>
    %dma_start3A_7 = tpu.memref_squeeze %dma_start3A_6 : memref<1x128x128xf32, #tpu.memory_space<vmem>> -> memref<128x128xf32, #tpu.memory_space<vmem>>
    %dma_start3A_8 = arith.constant 0 : i32
    %dma_start3A_9 = arith.constant 0 : i32
    %dma_start3A_10 = tpu.memref_slice %dma_start3A_7[%dma_start3A_8, %dma_start3A_9] : memref<128x128xf32, #tpu.memory_space<vmem>> -> memref<64x128xf32, #tpu.memory_space<vmem>>
    %dma_start3A_11 = arith.constant 0 : i32
    %dma_start3A_12 = tpu.memref_slice %arg5[%dma_start3A, %dma_start3A_11] : memref<128x200xi32, #tpu.memory_space<vmem>> -> memref<1x64xi32, #tpu.memory_space<vmem>>
    %dma_start3A_13 = tpu.memref_squeeze %dma_start3A_12 : memref<1x64xi32, #tpu.memory_space<vmem>> -> memref<64xi32, #tpu.memory_space<vmem>>
    %dma_start3A_14 = arith.constant 0 : i32
    %dma_start3A_15 = arith.constant 0 : i32
    %dma_start3A_16 = tpu.memref_slice %arg2[%dma_start3A_14, %dma_start3A_15] : memref<1000001x128xf32, #tpu.memory_space<hbm>> -> memref<1000001x128xf32, #tpu.memory_space<hbm>>
    tpu.enqueue_indirect_dma source(%dma_start3A_16 : memref<1000001x128xf32, #tpu.memory_space<hbm>>) target(%dma_start3A_10 : memref<64x128xf32, #tpu.memory_space<vmem>>) offsets(%dma_start3A_13 : memref<64xi32, #tpu.memory_space<vmem>>) semaphore(%arg8 : memref<!tpu.dma_semaphore, #tpu.memory_space<semaphore_mem>>)
    %dma_start3A_17 = arith.constant 0 : i32
    %dma_start3A_18 = arith.constant 0 : i32
    %dma_start3A_19 = arith.constant 0 : i32
    %dma_start3A_20 = arith.constant 0 : i32
    %dma_start3A_21 = tpu.memref_slice %arg6[%dma_start3A_18, %dma_start3A_19, %dma_start3A_20] : memref<2x128x128xf32, #tpu.memory_space<vmem>> -> memref<1x128x128xf32, #tpu.memory_space<vmem>>
    %dma_start3A_22 = tpu.memref_squeeze %dma_start3A_21 : memref<1x128x128xf32, #tpu.memory_space<vmem>> -> memref<128x128xf32, #tpu.memory_space<vmem>>
    %dma_start3A_23 = arith.constant 64 : i32
    %dma_start3A_24 = arith.constant 0 : i32
    %dma_start3A_25 = tpu.memref_slice %dma_start3A_22[%dma_start3A_23, %dma_start3A_24] : memref<128x128xf32, #tpu.memory_space<vmem>> -> memref<64x128xf32, #tpu.memory_space<vmem>>
    %dma_start3A_26 = arith.constant 64 : i32
    %dma_start3A_27 = tpu.memref_slice %arg5[%dma_start3A_17, %dma_start3A_26] : memref<128x200xi32, #tpu.memory_space<vmem>> -> memref<1x64xi32, #tpu.memory_space<vmem>>
    %dma_start3A_28 = tpu.memref_squeeze %dma_start3A_27 : memref<1x64xi32, #tpu.memory_space<vmem>> -> memref<64xi32, #tpu.memory_space<vmem>>
    %dma_start3A_29 = arith.constant 0 : i32
    %dma_start3A_30 = arith.constant 0 : i32
    %dma_start3A_31 = tpu.memref_slice %arg2[%dma_start3A_29, %dma_start3A_30] : memref<1000001x128xf32, #tpu.memory_space<hbm>> -> memref<1000001x128xf32, #tpu.memory_space<hbm>>
    tpu.enqueue_indirect_dma source(%dma_start3A_31 : memref<1000001x128xf32, #tpu.memory_space<hbm>>) target(%dma_start3A_25 : memref<64x128xf32, #tpu.memory_space<vmem>>) offsets(%dma_start3A_28 : memref<64xi32, #tpu.memory_space<vmem>>) semaphore(%arg8 : memref<!tpu.dma_semaphore, #tpu.memory_space<semaphore_mem>>)
    %scan3A = arith.constant 0 : i32
    %scan3A_32 = arith.constant 1 : i32
    %scan3A_33 = arith.constant 0 : i32
    %scan3A_34 = arith.constant 0 : i32
    %scan3A_35 = arith.constant 1 : i32
    %scan3A_36 = arith.constant 0 : i32
    %scan3A_37 = arith.constant 128 : i32
    %scan3A_38 = arith.addi %scan3A_36, %scan3A_37 : i32
    %scan3A_39 = arith.constant 1 : i32
    scf.for %scan3A_82 = %scan3A_36 to %scan3A_38 step %scan3A_39  : i32 {
      %dma_start3A_83 = arith.constant 0 : i32
      %dma_start3A_84 = arith.constant 0 : i32
      %dma_start3A_85 = tpu.memref_slice %arg6[%scan3A_32, %dma_start3A_83, %dma_start3A_84] : memref<2x128x128xf32, #tpu.memory_space<vmem>> -> memref<1x128x128xf32, #tpu.memory_space<vmem>>
      %dma_start3A_86 = tpu.memref_squeeze %dma_start3A_85 : memref<1x128x128xf32, #tpu.memory_space<vmem>> -> memref<128x128xf32, #tpu.memory_space<vmem>>
      %dma_start3A_87 = arith.constant 0 : i32
      %dma_start3A_88 = arith.constant 0 : i32
      %dma_start3A_89 = tpu.memref_slice %dma_start3A_86[%dma_start3A_87, %dma_start3A_88] : memref<128x128xf32, #tpu.memory_space<vmem>> -> memref<32x128xf32, #tpu.memory_space<vmem>>
      %dma_start3A_90 = arith.constant 128 : i32
      %dma_start3A_91 = tpu.memref_slice %arg5[%scan3A_82, %dma_start3A_90] : memref<128x200xi32, #tpu.memory_space<vmem>> -> memref<1x32xi32, #tpu.memory_space<vmem>>
      %dma_start3A_92 = tpu.memref_squeeze %dma_start3A_91 : memref<1x32xi32, #tpu.memory_space<vmem>> -> memref<32xi32, #tpu.memory_space<vmem>>
      %dma_start3A_93 = arith.constant 0 : i32
      %dma_start3A_94 = arith.constant 0 : i32
      %dma_start3A_95 = tpu.memref_slice %arg2[%dma_start3A_93, %dma_start3A_94] : memref<1000001x128xf32, #tpu.memory_space<hbm>> -> memref<1000001x128xf32, #tpu.memory_space<hbm>>
      tpu.enqueue_indirect_dma source(%dma_start3A_95 : memref<1000001x128xf32, #tpu.memory_space<hbm>>) target(%dma_start3A_89 : memref<32x128xf32, #tpu.memory_space<vmem>>) offsets(%dma_start3A_92 : memref<32xi32, #tpu.memory_space<vmem>>) semaphore(%arg8 : memref<!tpu.dma_semaphore, #tpu.memory_space<semaphore_mem>>)
      %dma_start3A_96 = arith.constant 0 : i32
      %dma_start3A_97 = arith.constant 0 : i32
      %dma_start3A_98 = tpu.memref_slice %arg6[%scan3A_32, %dma_start3A_96, %dma_start3A_97] : memref<2x128x128xf32, #tpu.memory_space<vmem>> -> memref<1x128x128xf32, #tpu.memory_space<vmem>>
      %dma_start3A_99 = tpu.memref_squeeze %dma_start3A_98 : memref<1x128x128xf32, #tpu.memory_space<vmem>> -> memref<128x128xf32, #tpu.memory_space<vmem>>
      %dma_start3A_100 = arith.constant 32 : i32
      %dma_start3A_101 = arith.constant 0 : i32
      %dma_start3A_102 = tpu.memref_slice %dma_start3A_99[%dma_start3A_100, %dma_start3A_101] : memref<128x128xf32, #tpu.memory_space<vmem>> -> memref<40x128xf32, #tpu.memory_space<vmem>>
      %dma_start3A_103 = arith.constant 160 : i32
      %dma_start3A_104 = tpu.memref_slice %arg5[%scan3A_82, %dma_start3A_103] : memref<128x200xi32, #tpu.memory_space<vmem>> -> memref<1x40xi32, #tpu.memory_space<vmem>>
      %dma_start3A_105 = tpu.memref_squeeze %dma_start3A_104 : memref<1x40xi32, #tpu.memory_space<vmem>> -> memref<40xi32, #tpu.memory_space<vmem>>
      %dma_start3A_106 = arith.constant 0 : i32
      %dma_start3A_107 = arith.constant 0 : i32
      %dma_start3A_108 = tpu.memref_slice %arg2[%dma_start3A_106, %dma_start3A_107] : memref<1000001x128xf32, #tpu.memory_space<hbm>> -> memref<1000001x128xf32, #tpu.memory_space<hbm>>
      tpu.enqueue_indirect_dma source(%dma_start3A_108 : memref<1000001x128xf32, #tpu.memory_space<hbm>>) target(%dma_start3A_102 : memref<40x128xf32, #tpu.memory_space<vmem>>) offsets(%dma_start3A_105 : memref<40xi32, #tpu.memory_space<vmem>>) semaphore(%arg8 : memref<!tpu.dma_semaphore, #tpu.memory_space<semaphore_mem>>)
      %dma_wait3A_109 = arith.constant 0 : i32
      %dma_wait3A_110 = arith.constant 0 : i32
      %dma_wait3A_111 = tpu.memref_slice %arg6[%scan3A_33, %dma_wait3A_109, %dma_wait3A_110] : memref<2x128x128xf32, #tpu.memory_space<vmem>> -> memref<1x128x128xf32, #tpu.memory_space<vmem>>
      %dma_wait3A_112 = tpu.memref_squeeze %dma_wait3A_111 : memref<1x128x128xf32, #tpu.memory_space<vmem>> -> memref<128x128xf32, #tpu.memory_space<vmem>>
      %dma_wait3A_113 = arith.constant 0 : i32
      %dma_wait3A_114 = arith.constant 0 : i32
      %dma_wait3A_115 = tpu.memref_slice %dma_wait3A_112[%dma_wait3A_113, %dma_wait3A_114] : memref<128x128xf32, #tpu.memory_space<vmem>> -> memref<128x128xf32, #tpu.memory_space<vmem>>
      %dma_wait3A_116 = arith.constant 0 : i32
      %dma_wait3A_117 = arith.constant 0 : i32
      %dma_wait3A_118 = tpu.memref_slice %arg2[%dma_wait3A_116, %dma_wait3A_117] : memref<1000001x128xf32, #tpu.memory_space<hbm>> -> memref<128x128xf32, #tpu.memory_space<hbm>>
      %dma_wait3A_119 = arith.constant 0 : i32
      %dma_wait3A_120 = arith.constant 0 : i32
      %dma_wait3A_121 = tpu.memref_slice %arg6[%scan3A_33, %dma_wait3A_119, %dma_wait3A_120] : memref<2x128x128xf32, #tpu.memory_space<vmem>> -> memref<1x128x128xf32, #tpu.memory_space<vmem>>
      %dma_wait3A_122 = tpu.memref_squeeze %dma_wait3A_121 : memref<1x128x128xf32, #tpu.memory_space<vmem>> -> memref<128x128xf32, #tpu.memory_space<vmem>>
      %dma_wait3A_123 = arith.constant 0 : i32
      %dma_wait3A_124 = arith.constant 0 : i32
      %dma_wait3A_125 = tpu.memref_slice %dma_wait3A_122[%dma_wait3A_123, %dma_wait3A_124] : memref<128x128xf32, #tpu.memory_space<vmem>> -> memref<128x128xf32, #tpu.memory_space<vmem>>
      %dma_wait3A_126 = arith.constant 0 : i32
      %dma_wait3A_127 = arith.constant 0 : i32
      %dma_wait3A_128 = tpu.memref_slice %arg2[%dma_wait3A_126, %dma_wait3A_127] : memref<1000001x128xf32, #tpu.memory_space<hbm>> -> memref<128x128xf32, #tpu.memory_space<hbm>>
      tpu.wait_dma2 semaphore(%arg8 : memref<!tpu.dma_semaphore, #tpu.memory_space<semaphore_mem>>) src(%dma_wait3A_128 : memref<128x128xf32, #tpu.memory_space<hbm>>) dst(%dma_wait3A_125 : memref<128x128xf32, #tpu.memory_space<vmem>>)
      %gt3A = arith.constant 0 : i32
      %gt3A_129 = arith.cmpi sgt, %scan3A_82, %gt3A : i32
      %convert_element_type3A = arith.extui %gt3A_129 : i1 to i32
      %cond3A = arith.constant 0 : i32
      %cond3A_130 = arith.cmpi ne, %convert_element_type3A, %cond3A : i32
      scf.if %cond3A_130 {
        %dma_wait3A_218 = arith.constant 0 : i32
        %dma_wait3A_219 = arith.constant 0 : i32
        %dma_wait3A_220 = tpu.memref_slice %arg7[%scan3A_34, %dma_wait3A_218, %dma_wait3A_219] : memref<2x128x64xf32, #tpu.memory_space<vmem>> -> memref<1x128x64xf32, #tpu.memory_space<vmem>>
        %dma_wait3A_221 = tpu.memref_squeeze %dma_wait3A_220 : memref<1x128x64xf32, #tpu.memory_space<vmem>> -> memref<128x64xf32, #tpu.memory_space<vmem>>
        %dma_wait3A_222 = arith.constant 0 : i32
        %dma_wait3A_223 = arith.constant 0 : i32
        %dma_wait3A_224 = tpu.memref_slice %dma_wait3A_221[%dma_wait3A_222, %dma_wait3A_223] : memref<128x64xf32, #tpu.memory_space<vmem>> -> memref<128x64xf32, #tpu.memory_space<vmem>>
        %dma_wait3A_225 = arith.constant 0 : i32
        %dma_wait3A_226 = arith.constant 0 : i32
        %dma_wait3A_227 = tpu.memref_slice %arg4[%dma_wait3A_225, %dma_wait3A_226] : memref<819200x64xf32, #tpu.memory_space<hbm>> -> memref<128x64xf32, #tpu.memory_space<hbm>>
        %dma_wait3A_228 = arith.constant 0 : i32
        %dma_wait3A_229 = arith.constant 0 : i32
        %dma_wait3A_230 = tpu.memref_slice %arg4[%dma_wait3A_228, %dma_wait3A_229] : memref<819200x64xf32, #tpu.memory_space<hbm>> -> memref<128x64xf32, #tpu.memory_space<hbm>>
        %dma_wait3A_231 = arith.constant 0 : i32
        %dma_wait3A_232 = arith.constant 0 : i32
        %dma_wait3A_233 = tpu.memref_slice %arg7[%scan3A_34, %dma_wait3A_231, %dma_wait3A_232] : memref<2x128x64xf32, #tpu.memory_space<vmem>> -> memref<1x128x64xf32, #tpu.memory_space<vmem>>
        %dma_wait3A_234 = tpu.memref_squeeze %dma_wait3A_233 : memref<1x128x64xf32, #tpu.memory_space<vmem>> -> memref<128x64xf32, #tpu.memory_space<vmem>>
        %dma_wait3A_235 = arith.constant 0 : i32
        %dma_wait3A_236 = arith.constant 0 : i32
        %dma_wait3A_237 = tpu.memref_slice %dma_wait3A_234[%dma_wait3A_235, %dma_wait3A_236] : memref<128x64xf32, #tpu.memory_space<vmem>> -> memref<128x64xf32, #tpu.memory_space<vmem>>
        tpu.wait_dma2 semaphore(%arg9 : memref<!tpu.dma_semaphore, #tpu.memory_space<semaphore_mem>>) src(%dma_wait3A_237 : memref<128x64xf32, #tpu.memory_space<vmem>>) dst(%dma_wait3A_230 : memref<128x64xf32, #tpu.memory_space<hbm>>)
      } else {
      }
      %scan3A_131 = arith.constant 0 : i32
      %scan3A_132 = arith.constant 0 : i32
      %scan3A_133 = arith.constant 32 : i32
      %scan3A_134 = arith.addi %scan3A_132, %scan3A_133 : i32
      %scan3A_135 = arith.constant 1 : i32
      scf.for %scan3A_218 = %scan3A_132 to %scan3A_134 step %scan3A_135  : i32 {
        %mul3A_219 = arith.constant 4 : i32
        %mul3A_220 = arith.muli %scan3A_218, %mul3A_219 : i32
        %add3A_221 = arith.constant 0 : i32
        %add3A_222 = arith.addi %mul3A_220, %add3A_221 : i32
        %get3A = arith.constant 0 : i32
        %get3A_223 = arith.constant 0 : i32
        %get3A_224 = tpu.memref_slice %arg6[%scan3A_33, %get3A, %get3A_223] : memref<2x128x128xf32, #tpu.memory_space<vmem>> -> memref<1x128x128xf32, #tpu.memory_space<vmem>>
        %get3A_225 = tpu.memref_squeeze %get3A_224 : memref<1x128x128xf32, #tpu.memory_space<vmem>> -> memref<128x128xf32, #tpu.memory_space<vmem>>
        %get3A_226 = arith.index_cast %add3A_222 : i32 to index
        %get3A_227 = arith.constant 0 : index
        %get3A_228 = tpu.vector_load %get3A_225[%get3A_226, %get3A_227] {strides = array<i32>} : memref<128x128xf32, #tpu.memory_space<vmem>>, vector<1x16xf32>,
        %get3A_229 = vector.shape_cast %get3A_228 : vector<1x16xf32> to vector<16xf32>
        %add3A_230 = arith.constant 0 : i32
        %add3A_231 = arith.addi %mul3A_220, %add3A_230 : i32
        %swap3A = arith.constant 0 : i32
        %swap3A_232 = arith.constant 0 : i32
        %swap3A_233 = tpu.memref_slice %arg7[%scan3A_34, %swap3A, %swap3A_232] : memref<2x128x64xf32, #tpu.memory_space<vmem>> -> memref<1x128x64xf32, #tpu.memory_space<vmem>>
        %swap3A_234 = tpu.memref_squeeze %swap3A_233 : memref<1x128x64xf32, #tpu.memory_space<vmem>> -> memref<128x64xf32, #tpu.memory_space<vmem>>
        %swap3A_235 = arith.index_cast %add3A_231 : i32 to index
        %swap3A_236 = arith.constant 0 : index
        %swap3A_237 = tpu.vector_load %swap3A_234[%swap3A_235, %swap3A_236] {strides = array<i32>} : memref<128x64xf32, #tpu.memory_space<vmem>>, vector<1x16xf32>,
        %swap3A_238 = vector.shape_cast %swap3A_237 : vector<1x16xf32> to vector<16xf32>
        %swap3A_239 = vector.shape_cast %get3A_229 : vector<16xf32> to vector<1x16xf32>
        tpu.vector_store %swap3A_234[%swap3A_235, %swap3A_236], %swap3A_239 {strides = array<i32>} : memref<128x64xf32, #tpu.memory_space<vmem>>, vector<1x16xf32>,
        %add3A_240 = arith.constant 0 : i32
        %add3A_241 = arith.addi %mul3A_220, %add3A_240 : i32
        %get3A_242 = arith.constant 0 : i32
        %get3A_243 = arith.constant 0 : i32
        %get3A_244 = tpu.memref_slice %arg6[%scan3A_33, %get3A_242, %get3A_243] : memref<2x128x128xf32, #tpu.memory_space<vmem>> -> memref<1x128x128xf32, #tpu.memory_space<vmem>>
        %get3A_245 = tpu.memref_squeeze %get3A_244 : memref<1x128x128xf32, #tpu.memory_space<vmem>> -> memref<128x128xf32, #tpu.memory_space<vmem>>
        %get3A_246 = arith.index_cast %add3A_241 : i32 to index
        %get3A_247 = arith.constant 16 : index
        %get3A_248 = tpu.vector_load %get3A_245[%get3A_246, %get3A_247] {strides = array<i32>} : memref<128x128xf32, #tpu.memory_space<vmem>>, vector<1x16xf32>,
        %get3A_249 = vector.shape_cast %get3A_248 : vector<1x16xf32> to vector<16xf32>
        %add3A_250 = arith.constant 0 : i32
        %add3A_251 = arith.addi %mul3A_220, %add3A_250 : i32
        %swap3A_252 = arith.constant 0 : i32
        %swap3A_253 = arith.constant 0 : i32
        %swap3A_254 = tpu.memref_slice %arg7[%scan3A_34, %swap3A_252, %swap3A_253] : memref<2x128x64xf32, #tpu.memory_space<vmem>> -> memref<1x128x64xf32, #tpu.memory_space<vmem>>
        %swap3A_255 = tpu.memref_squeeze %swap3A_254 : memref<1x128x64xf32, #tpu.memory_space<vmem>> -> memref<128x64xf32, #tpu.memory_space<vmem>>
        %swap3A_256 = arith.index_cast %add3A_251 : i32 to index
        %swap3A_257 = arith.constant 16 : index
        %swap3A_258 = tpu.vector_load %swap3A_255[%swap3A_256, %swap3A_257] {strides = array<i32>} : memref<128x64xf32, #tpu.memory_space<vmem>>, vector<1x16xf32>,
        %swap3A_259 = vector.shape_cast %swap3A_258 : vector<1x16xf32> to vector<16xf32>
        %swap3A_260 = vector.shape_cast %get3A_249 : vector<16xf32> to vector<1x16xf32>
        tpu.vector_store %swap3A_255[%swap3A_256, %swap3A_257], %swap3A_260 {strides = array<i32>} : memref<128x64xf32, #tpu.memory_space<vmem>>, vector<1x16xf32>,
        %add3A_261 = arith.constant 0 : i32
        %add3A_262 = arith.addi %mul3A_220, %add3A_261 : i32
        %get3A_263 = arith.constant 0 : i32
        %get3A_264 = arith.constant 0 : i32
        %get3A_265 = tpu.memref_slice %arg6[%scan3A_33, %get3A_263, %get3A_264] : memref<2x128x128xf32, #tpu.memory_space<vmem>> -> memref<1x128x128xf32, #tpu.memory_space<vmem>>
        %get3A_266 = tpu.memref_squeeze %get3A_265 : memref<1x128x128xf32, #tpu.memory_space<vmem>> -> memref<128x128xf32, #tpu.memory_space<vmem>>
        %get3A_267 = arith.index_cast %add3A_262 : i32 to index
        %get3A_268 = arith.constant 32 : index
        %get3A_269 = tpu.vector_load %get3A_266[%get3A_267, %get3A_268] {strides = array<i32>} : memref<128x128xf32, #tpu.memory_space<vmem>>, vector<1x16xf32>,
        %get3A_270 = vector.shape_cast %get3A_269 : vector<1x16xf32> to vector<16xf32>
        %add3A_271 = arith.constant 0 : i32
        %add3A_272 = arith.addi %mul3A_220, %add3A_271 : i32
        %swap3A_273 = arith.constant 0 : i32
        %swap3A_274 = arith.constant 0 : i32
        %swap3A_275 = tpu.memref_slice %arg7[%scan3A_34, %swap3A_273, %swap3A_274] : memref<2x128x64xf32, #tpu.memory_space<vmem>> -> memref<1x128x64xf32, #tpu.memory_space<vmem>>
        %swap3A_276 = tpu.memref_squeeze %swap3A_275 : memref<1x128x64xf32, #tpu.memory_space<vmem>> -> memref<128x64xf32, #tpu.memory_space<vmem>>
        %swap3A_277 = arith.index_cast %add3A_272 : i32 to index
        %swap3A_278 = arith.constant 32 : index
        %swap3A_279 = tpu.vector_load %swap3A_276[%swap3A_277, %swap3A_278] {strides = array<i32>} : memref<128x64xf32, #tpu.memory_space<vmem>>, vector<1x16xf32>,
        %swap3A_280 = vector.shape_cast %swap3A_279 : vector<1x16xf32> to vector<16xf32>
        %swap3A_281 = vector.shape_cast %get3A_270 : vector<16xf32> to vector<1x16xf32>
        tpu.vector_store %swap3A_276[%swap3A_277, %swap3A_278], %swap3A_281 {strides = array<i32>} : memref<128x64xf32, #tpu.memory_space<vmem>>, vector<1x16xf32>,
        %add3A_282 = arith.constant 0 : i32
        %add3A_283 = arith.addi %mul3A_220, %add3A_282 : i32
        %get3A_284 = arith.constant 0 : i32
        %get3A_285 = arith.constant 0 : i32
        %get3A_286 = tpu.memref_slice %arg6[%scan3A_33, %get3A_284, %get3A_285] : memref<2x128x128xf32, #tpu.memory_space<vmem>> -> memref<1x128x128xf32, #tpu.memory_space<vmem>>
        %get3A_287 = tpu.memref_squeeze %get3A_286 : memref<1x128x128xf32, #tpu.memory_space<vmem>> -> memref<128x128xf32, #tpu.memory_space<vmem>>
        %get3A_288 = arith.index_cast %add3A_283 : i32 to index
        %get3A_289 = arith.constant 48 : index
        %get3A_290 = tpu.vector_load %get3A_287[%get3A_288, %get3A_289] {strides = array<i32>} : memref<128x128xf32, #tpu.memory_space<vmem>>, vector<1x16xf32>,
        %get3A_291 = vector.shape_cast %get3A_290 : vector<1x16xf32> to vector<16xf32>
        %add3A_292 = arith.constant 0 : i32
        %add3A_293 = arith.addi %mul3A_220, %add3A_292 : i32
        %swap3A_294 = arith.constant 0 : i32
        %swap3A_295 = arith.constant 0 : i32
        %swap3A_296 = tpu.memref_slice %arg7[%scan3A_34, %swap3A_294, %swap3A_295] : memref<2x128x64xf32, #tpu.memory_space<vmem>> -> memref<1x128x64xf32, #tpu.memory_space<vmem>>
        %swap3A_297 = tpu.memref_squeeze %swap3A_296 : memref<1x128x64xf32, #tpu.memory_space<vmem>> -> memref<128x64xf32, #tpu.memory_space<vmem>>
        %swap3A_298 = arith.index_cast %add3A_293 : i32 to index
        %swap3A_299 = arith.constant 48 : index
        %swap3A_300 = tpu.vector_load %swap3A_297[%swap3A_298, %swap3A_299] {strides = array<i32>} : memref<128x64xf32, #tpu.memory_space<vmem>>, vector<1x16xf32>,
        %swap3A_301 = vector.shape_cast %swap3A_300 : vector<1x16xf32> to vector<16xf32>
        %swap3A_302 = vector.shape_cast %get3A_291 : vector<16xf32> to vector<1x16xf32>
        tpu.vector_store %swap3A_297[%swap3A_298, %swap3A_299], %swap3A_302 {strides = array<i32>} : memref<128x64xf32, #tpu.memory_space<vmem>>, vector<1x16xf32>,
        %add3A_303 = arith.constant 1 : i32
        %add3A_304 = arith.addi %mul3A_220, %add3A_303 : i32
        %get3A_305 = arith.constant 0 : i32
        %get3A_306 = arith.constant 0 : i32
        %get3A_307 = tpu.memref_slice %arg6[%scan3A_33, %get3A_305, %get3A_306] : memref<2x128x128xf32, #tpu.memory_space<vmem>> -> memref<1x128x128xf32, #tpu.memory_space<vmem>>
        %get3A_308 = tpu.memref_squeeze %get3A_307 : memref<1x128x128xf32, #tpu.memory_space<vmem>> -> memref<128x128xf32, #tpu.memory_space<vmem>>
        %get3A_309 = arith.index_cast %add3A_304 : i32 to index
        %get3A_310 = arith.constant 0 : index
        %get3A_311 = tpu.vector_load %get3A_308[%get3A_309, %get3A_310] {strides = array<i32>} : memref<128x128xf32, #tpu.memory_space<vmem>>, vector<1x16xf32>,
        %get3A_312 = vector.shape_cast %get3A_311 : vector<1x16xf32> to vector<16xf32>
        %add3A_313 = arith.constant 1 : i32
        %add3A_314 = arith.addi %mul3A_220, %add3A_313 : i32
        %swap3A_315 = arith.constant 0 : i32
        %swap3A_316 = arith.constant 0 : i32
        %swap3A_317 = tpu.memref_slice %arg7[%scan3A_34, %swap3A_315, %swap3A_316] : memref<2x128x64xf32, #tpu.memory_space<vmem>> -> memref<1x128x64xf32, #tpu.memory_space<vmem>>
        %swap3A_318 = tpu.memref_squeeze %swap3A_317 : memref<1x128x64xf32, #tpu.memory_space<vmem>> -> memref<128x64xf32, #tpu.memory_space<vmem>>
        %swap3A_319 = arith.index_cast %add3A_314 : i32 to index
        %swap3A_320 = arith.constant 0 : index
        %swap3A_321 = tpu.vector_load %swap3A_318[%swap3A_319, %swap3A_320] {strides = array<i32>} : memref<128x64xf32, #tpu.memory_space<vmem>>, vector<1x16xf32>,
        %swap3A_322 = vector.shape_cast %swap3A_321 : vector<1x16xf32> to vector<16xf32>
        %swap3A_323 = vector.shape_cast %get3A_312 : vector<16xf32> to vector<1x16xf32>
        tpu.vector_store %swap3A_318[%swap3A_319, %swap3A_320], %swap3A_323 {strides = array<i32>} : memref<128x64xf32, #tpu.memory_space<vmem>>, vector<1x16xf32>,
        %add3A_324 = arith.constant 1 : i32
        %add3A_325 = arith.addi %mul3A_220, %add3A_324 : i32
        %get3A_326 = arith.constant 0 : i32
        %get3A_327 = arith.constant 0 : i32
        %get3A_328 = tpu.memref_slice %arg6[%scan3A_33, %get3A_326, %get3A_327] : memref<2x128x128xf32, #tpu.memory_space<vmem>> -> memref<1x128x128xf32, #tpu.memory_space<vmem>>
        %get3A_329 = tpu.memref_squeeze %get3A_328 : memref<1x128x128xf32, #tpu.memory_space<vmem>> -> memref<128x128xf32, #tpu.memory_space<vmem>>
        %get3A_330 = arith.index_cast %add3A_325 : i32 to index
        %get3A_331 = arith.constant 16 : index
        %get3A_332 = tpu.vector_load %get3A_329[%get3A_330, %get3A_331] {strides = array<i32>} : memref<128x128xf32, #tpu.memory_space<vmem>>, vector<1x16xf32>,
        %get3A_333 = vector.shape_cast %get3A_332 : vector<1x16xf32> to vector<16xf32>
        %add3A_334 = arith.constant 1 : i32
        %add3A_335 = arith.addi %mul3A_220, %add3A_334 : i32
        %swap3A_336 = arith.constant 0 : i32
        %swap3A_337 = arith.constant 0 : i32
        %swap3A_338 = tpu.memref_slice %arg7[%scan3A_34, %swap3A_336, %swap3A_337] : memref<2x128x64xf32, #tpu.memory_space<vmem>> -> memref<1x128x64xf32, #tpu.memory_space<vmem>>
        %swap3A_339 = tpu.memref_squeeze %swap3A_338 : memref<1x128x64xf32, #tpu.memory_space<vmem>> -> memref<128x64xf32, #tpu.memory_space<vmem>>
        %swap3A_340 = arith.index_cast %add3A_335 : i32 to index
        %swap3A_341 = arith.constant 16 : index
        %swap3A_342 = tpu.vector_load %swap3A_339[%swap3A_340, %swap3A_341] {strides = array<i32>} : memref<128x64xf32, #tpu.memory_space<vmem>>, vector<1x16xf32>,
        %swap3A_343 = vector.shape_cast %swap3A_342 : vector<1x16xf32> to vector<16xf32>
        %swap3A_344 = vector.shape_cast %get3A_333 : vector<16xf32> to vector<1x16xf32>
        tpu.vector_store %swap3A_339[%swap3A_340, %swap3A_341], %swap3A_344 {strides = array<i32>} : memref<128x64xf32, #tpu.memory_space<vmem>>, vector<1x16xf32>,
        %add3A_345 = arith.constant 1 : i32
        %add3A_346 = arith.addi %mul3A_220, %add3A_345 : i32
        %get3A_347 = arith.constant 0 : i32
        %get3A_348 = arith.constant 0 : i32
        %get3A_349 = tpu.memref_slice %arg6[%scan3A_33, %get3A_347, %get3A_348] : memref<2x128x128xf32, #tpu.memory_space<vmem>> -> memref<1x128x128xf32, #tpu.memory_space<vmem>>
        %get3A_350 = tpu.memref_squeeze %get3A_349 : memref<1x128x128xf32, #tpu.memory_space<vmem>> -> memref<128x128xf32, #tpu.memory_space<vmem>>
        %get3A_351 = arith.index_cast %add3A_346 : i32 to index
        %get3A_352 = arith.constant 32 : index
        %get3A_353 = tpu.vector_load %get3A_350[%get3A_351, %get3A_352] {strides = array<i32>} : memref<128x128xf32, #tpu.memory_space<vmem>>, vector<1x16xf32>,
        %get3A_354 = vector.shape_cast %get3A_353 : vector<1x16xf32> to vector<16xf32>
        %add3A_355 = arith.constant 1 : i32
        %add3A_356 = arith.addi %mul3A_220, %add3A_355 : i32
        %swap3A_357 = arith.constant 0 : i32
        %swap3A_358 = arith.constant 0 : i32
        %swap3A_359 = tpu.memref_slice %arg7[%scan3A_34, %swap3A_357, %swap3A_358] : memref<2x128x64xf32, #tpu.memory_space<vmem>> -> memref<1x128x64xf32, #tpu.memory_space<vmem>>
        %swap3A_360 = tpu.memref_squeeze %swap3A_359 : memref<1x128x64xf32, #tpu.memory_space<vmem>> -> memref<128x64xf32, #tpu.memory_space<vmem>>
        %swap3A_361 = arith.index_cast %add3A_356 : i32 to index
        %swap3A_362 = arith.constant 32 : index
        %swap3A_363 = tpu.vector_load %swap3A_360[%swap3A_361, %swap3A_362] {strides = array<i32>} : memref<128x64xf32, #tpu.memory_space<vmem>>, vector<1x16xf32>,
        %swap3A_364 = vector.shape_cast %swap3A_363 : vector<1x16xf32> to vector<16xf32>
        %swap3A_365 = vector.shape_cast %get3A_354 : vector<16xf32> to vector<1x16xf32>
        tpu.vector_store %swap3A_360[%swap3A_361, %swap3A_362], %swap3A_365 {strides = array<i32>} : memref<128x64xf32, #tpu.memory_space<vmem>>, vector<1x16xf32>,
        %add3A_366 = arith.constant 1 : i32
        %add3A_367 = arith.addi %mul3A_220, %add3A_366 : i32
        %get3A_368 = arith.constant 0 : i32
        %get3A_369 = arith.constant 0 : i32
        %get3A_370 = tpu.memref_slice %arg6[%scan3A_33, %get3A_368, %get3A_369] : memref<2x128x128xf32, #tpu.memory_space<vmem>> -> memref<1x128x128xf32, #tpu.memory_space<vmem>>
        %get3A_371 = tpu.memref_squeeze %get3A_370 : memref<1x128x128xf32, #tpu.memory_space<vmem>> -> memref<128x128xf32, #tpu.memory_space<vmem>>
        %get3A_372 = arith.index_cast %add3A_367 : i32 to index
        %get3A_373 = arith.constant 48 : index
        %get3A_374 = tpu.vector_load %get3A_371[%get3A_372, %get3A_373] {strides = array<i32>} : memref<128x128xf32, #tpu.memory_space<vmem>>, vector<1x16xf32>,
        %get3A_375 = vector.shape_cast %get3A_374 : vector<1x16xf32> to vector<16xf32>
        %add3A_376 = arith.constant 1 : i32
        %add3A_377 = arith.addi %mul3A_220, %add3A_376 : i32
        %swap3A_378 = arith.constant 0 : i32
        %swap3A_379 = arith.constant 0 : i32
        %swap3A_380 = tpu.memref_slice %arg7[%scan3A_34, %swap3A_378, %swap3A_379] : memref<2x128x64xf32, #tpu.memory_space<vmem>> -> memref<1x128x64xf32, #tpu.memory_space<vmem>>
        %swap3A_381 = tpu.memref_squeeze %swap3A_380 : memref<1x128x64xf32, #tpu.memory_space<vmem>> -> memref<128x64xf32, #tpu.memory_space<vmem>>
        %swap3A_382 = arith.index_cast %add3A_377 : i32 to index
        %swap3A_383 = arith.constant 48 : index
        %swap3A_384 = tpu.vector_load %swap3A_381[%swap3A_382, %swap3A_383] {strides = array<i32>} : memref<128x64xf32, #tpu.memory_space<vmem>>, vector<1x16xf32>,
        %swap3A_385 = vector.shape_cast %swap3A_384 : vector<1x16xf32> to vector<16xf32>
        %swap3A_386 = vector.shape_cast %get3A_375 : vector<16xf32> to vector<1x16xf32>
        tpu.vector_store %swap3A_381[%swap3A_382, %swap3A_383], %swap3A_386 {strides = array<i32>} : memref<128x64xf32, #tpu.memory_space<vmem>>, vector<1x16xf32>,
        %add3A_387 = arith.constant 2 : i32
        %add3A_388 = arith.addi %mul3A_220, %add3A_387 : i32
        %get3A_389 = arith.constant 0 : i32
        %get3A_390 = arith.constant 0 : i32
        %get3A_391 = tpu.memref_slice %arg6[%scan3A_33, %get3A_389, %get3A_390] : memref<2x128x128xf32, #tpu.memory_space<vmem>> -> memref<1x128x128xf32, #tpu.memory_space<vmem>>
        %get3A_392 = tpu.memref_squeeze %get3A_391 : memref<1x128x128xf32, #tpu.memory_space<vmem>> -> memref<128x128xf32, #tpu.memory_space<vmem>>
        %get3A_393 = arith.index_cast %add3A_388 : i32 to index
        %get3A_394 = arith.constant 0 : index
        %get3A_395 = tpu.vector_load %get3A_392[%get3A_393, %get3A_394] {strides = array<i32>} : memref<128x128xf32, #tpu.memory_space<vmem>>, vector<1x16xf32>,
        %get3A_396 = vector.shape_cast %get3A_395 : vector<1x16xf32> to vector<16xf32>
        %add3A_397 = arith.constant 2 : i32
        %add3A_398 = arith.addi %mul3A_220, %add3A_397 : i32
        %swap3A_399 = arith.constant 0 : i32
        %swap3A_400 = arith.constant 0 : i32
        %swap3A_401 = tpu.memref_slice %arg7[%scan3A_34, %swap3A_399, %swap3A_400] : memref<2x128x64xf32, #tpu.memory_space<vmem>> -> memref<1x128x64xf32, #tpu.memory_space<vmem>>
        %swap3A_402 = tpu.memref_squeeze %swap3A_401 : memref<1x128x64xf32, #tpu.memory_space<vmem>> -> memref<128x64xf32, #tpu.memory_space<vmem>>
        %swap3A_403 = arith.index_cast %add3A_398 : i32 to index
        %swap3A_404 = arith.constant 0 : index
        %swap3A_405 = tpu.vector_load %swap3A_402[%swap3A_403, %swap3A_404] {strides = array<i32>} : memref<128x64xf32, #tpu.memory_space<vmem>>, vector<1x16xf32>,
        %swap3A_406 = vector.shape_cast %swap3A_405 : vector<1x16xf32> to vector<16xf32>
        %swap3A_407 = vector.shape_cast %get3A_396 : vector<16xf32> to vector<1x16xf32>
        tpu.vector_store %swap3A_402[%swap3A_403, %swap3A_404], %swap3A_407 {strides = array<i32>} : memref<128x64xf32, #tpu.memory_space<vmem>>, vector<1x16xf32>,
        %add3A_408 = arith.constant 2 : i32
        %add3A_409 = arith.addi %mul3A_220, %add3A_408 : i32
        %get3A_410 = arith.constant 0 : i32
        %get3A_411 = arith.constant 0 : i32
        %get3A_412 = tpu.memref_slice %arg6[%scan3A_33, %get3A_410, %get3A_411] : memref<2x128x128xf32, #tpu.memory_space<vmem>> -> memref<1x128x128xf32, #tpu.memory_space<vmem>>
        %get3A_413 = tpu.memref_squeeze %get3A_412 : memref<1x128x128xf32, #tpu.memory_space<vmem>> -> memref<128x128xf32, #tpu.memory_space<vmem>>
        %get3A_414 = arith.index_cast %add3A_409 : i32 to index
        %get3A_415 = arith.constant 16 : index
        %get3A_416 = tpu.vector_load %get3A_413[%get3A_414, %get3A_415] {strides = array<i32>} : memref<128x128xf32, #tpu.memory_space<vmem>>, vector<1x16xf32>,
        %get3A_417 = vector.shape_cast %get3A_416 : vector<1x16xf32> to vector<16xf32>
        %add3A_418 = arith.constant 2 : i32
        %add3A_419 = arith.addi %mul3A_220, %add3A_418 : i32
        %swap3A_420 = arith.constant 0 : i32
        %swap3A_421 = arith.constant 0 : i32
        %swap3A_422 = tpu.memref_slice %arg7[%scan3A_34, %swap3A_420, %swap3A_421] : memref<2x128x64xf32, #tpu.memory_space<vmem>> -> memref<1x128x64xf32, #tpu.memory_space<vmem>>
        %swap3A_423 = tpu.memref_squeeze %swap3A_422 : memref<1x128x64xf32, #tpu.memory_space<vmem>> -> memref<128x64xf32, #tpu.memory_space<vmem>>
        %swap3A_424 = arith.index_cast %add3A_419 : i32 to index
        %swap3A_425 = arith.constant 16 : index
        %swap3A_426 = tpu.vector_load %swap3A_423[%swap3A_424, %swap3A_425] {strides = array<i32>} : memref<128x64xf32, #tpu.memory_space<vmem>>, vector<1x16xf32>,
        %swap3A_427 = vector.shape_cast %swap3A_426 : vector<1x16xf32> to vector<16xf32>
        %swap3A_428 = vector.shape_cast %get3A_417 : vector<16xf32> to vector<1x16xf32>
        tpu.vector_store %swap3A_423[%swap3A_424, %swap3A_425], %swap3A_428 {strides = array<i32>} : memref<128x64xf32, #tpu.memory_space<vmem>>, vector<1x16xf32>,
        %add3A_429 = arith.constant 2 : i32
        %add3A_430 = arith.addi %mul3A_220, %add3A_429 : i32
        %get3A_431 = arith.constant 0 : i32
        %get3A_432 = arith.constant 0 : i32
        %get3A_433 = tpu.memref_slice %arg6[%scan3A_33, %get3A_431, %get3A_432] : memref<2x128x128xf32, #tpu.memory_space<vmem>> -> memref<1x128x128xf32, #tpu.memory_space<vmem>>
        %get3A_434 = tpu.memref_squeeze %get3A_433 : memref<1x128x128xf32, #tpu.memory_space<vmem>> -> memref<128x128xf32, #tpu.memory_space<vmem>>
        %get3A_435 = arith.index_cast %add3A_430 : i32 to index
        %get3A_436 = arith.constant 32 : index
        %get3A_437 = tpu.vector_load %get3A_434[%get3A_435, %get3A_436] {strides = array<i32>} : memref<128x128xf32, #tpu.memory_space<vmem>>, vector<1x16xf32>,
        %get3A_438 = vector.shape_cast %get3A_437 : vector<1x16xf32> to vector<16xf32>
        %add3A_439 = arith.constant 2 : i32
        %add3A_440 = arith.addi %mul3A_220, %add3A_439 : i32
        %swap3A_441 = arith.constant 0 : i32
        %swap3A_442 = arith.constant 0 : i32
        %swap3A_443 = tpu.memref_slice %arg7[%scan3A_34, %swap3A_441, %swap3A_442] : memref<2x128x64xf32, #tpu.memory_space<vmem>> -> memref<1x128x64xf32, #tpu.memory_space<vmem>>
        %swap3A_444 = tpu.memref_squeeze %swap3A_443 : memref<1x128x64xf32, #tpu.memory_space<vmem>> -> memref<128x64xf32, #tpu.memory_space<vmem>>
        %swap3A_445 = arith.index_cast %add3A_440 : i32 to index
        %swap3A_446 = arith.constant 32 : index
        %swap3A_447 = tpu.vector_load %swap3A_444[%swap3A_445, %swap3A_446] {strides = array<i32>} : memref<128x64xf32, #tpu.memory_space<vmem>>, vector<1x16xf32>,
        %swap3A_448 = vector.shape_cast %swap3A_447 : vector<1x16xf32> to vector<16xf32>
        %swap3A_449 = vector.shape_cast %get3A_438 : vector<16xf32> to vector<1x16xf32>
        tpu.vector_store %swap3A_444[%swap3A_445, %swap3A_446], %swap3A_449 {strides = array<i32>} : memref<128x64xf32, #tpu.memory_space<vmem>>, vector<1x16xf32>,
        %add3A_450 = arith.constant 2 : i32
        %add3A_451 = arith.addi %mul3A_220, %add3A_450 : i32
        %get3A_452 = arith.constant 0 : i32
        %get3A_453 = arith.constant 0 : i32
        %get3A_454 = tpu.memref_slice %arg6[%scan3A_33, %get3A_452, %get3A_453] : memref<2x128x128xf32, #tpu.memory_space<vmem>> -> memref<1x128x128xf32, #tpu.memory_space<vmem>>
        %get3A_455 = tpu.memref_squeeze %get3A_454 : memref<1x128x128xf32, #tpu.memory_space<vmem>> -> memref<128x128xf32, #tpu.memory_space<vmem>>
        %get3A_456 = arith.index_cast %add3A_451 : i32 to index
        %get3A_457 = arith.constant 48 : index
        %get3A_458 = tpu.vector_load %get3A_455[%get3A_456, %get3A_457] {strides = array<i32>} : memref<128x128xf32, #tpu.memory_space<vmem>>, vector<1x16xf32>,
        %get3A_459 = vector.shape_cast %get3A_458 : vector<1x16xf32> to vector<16xf32>
        %add3A_460 = arith.constant 2 : i32
        %add3A_461 = arith.addi %mul3A_220, %add3A_460 : i32
        %swap3A_462 = arith.constant 0 : i32
        %swap3A_463 = arith.constant 0 : i32
        %swap3A_464 = tpu.memref_slice %arg7[%scan3A_34, %swap3A_462, %swap3A_463] : memref<2x128x64xf32, #tpu.memory_space<vmem>> -> memref<1x128x64xf32, #tpu.memory_space<vmem>>
        %swap3A_465 = tpu.memref_squeeze %swap3A_464 : memref<1x128x64xf32, #tpu.memory_space<vmem>> -> memref<128x64xf32, #tpu.memory_space<vmem>>
        %swap3A_466 = arith.index_cast %add3A_461 : i32 to index
        %swap3A_467 = arith.constant 48 : index
        %swap3A_468 = tpu.vector_load %swap3A_465[%swap3A_466, %swap3A_467] {strides = array<i32>} : memref<128x64xf32, #tpu.memory_space<vmem>>, vector<1x16xf32>,
        %swap3A_469 = vector.shape_cast %swap3A_468 : vector<1x16xf32> to vector<16xf32>
        %swap3A_470 = vector.shape_cast %get3A_459 : vector<16xf32> to vector<1x16xf32>
        tpu.vector_store %swap3A_465[%swap3A_466, %swap3A_467], %swap3A_470 {strides = array<i32>} : memref<128x64xf32, #tpu.memory_space<vmem>>, vector<1x16xf32>,
        %add3A_471 = arith.constant 3 : i32
        %add3A_472 = arith.addi %mul3A_220, %add3A_471 : i32
        %get3A_473 = arith.constant 0 : i32
        %get3A_474 = arith.constant 0 : i32
        %get3A_475 = tpu.memref_slice %arg6[%scan3A_33, %get3A_473, %get3A_474] : memref<2x128x128xf32, #tpu.memory_space<vmem>> -> memref<1x128x128xf32, #tpu.memory_space<vmem>>
        %get3A_476 = tpu.memref_squeeze %get3A_475 : memref<1x128x128xf32, #tpu.memory_space<vmem>> -> memref<128x128xf32, #tpu.memory_space<vmem>>
        %get3A_477 = arith.index_cast %add3A_472 : i32 to index
        %get3A_478 = arith.constant 0 : index
        %get3A_479 = tpu.vector_load %get3A_476[%get3A_477, %get3A_478] {strides = array<i32>} : memref<128x128xf32, #tpu.memory_space<vmem>>, vector<1x16xf32>,
        %get3A_480 = vector.shape_cast %get3A_479 : vector<1x16xf32> to vector<16xf32>
        %add3A_481 = arith.constant 3 : i32
        %add3A_482 = arith.addi %mul3A_220, %add3A_481 : i32
        %swap3A_483 = arith.constant 0 : i32
        %swap3A_484 = arith.constant 0 : i32
        %swap3A_485 = tpu.memref_slice %arg7[%scan3A_34, %swap3A_483, %swap3A_484] : memref<2x128x64xf32, #tpu.memory_space<vmem>> -> memref<1x128x64xf32, #tpu.memory_space<vmem>>
        %swap3A_486 = tpu.memref_squeeze %swap3A_485 : memref<1x128x64xf32, #tpu.memory_space<vmem>> -> memref<128x64xf32, #tpu.memory_space<vmem>>
        %swap3A_487 = arith.index_cast %add3A_482 : i32 to index
        %swap3A_488 = arith.constant 0 : index
        %swap3A_489 = tpu.vector_load %swap3A_486[%swap3A_487, %swap3A_488] {strides = array<i32>} : memref<128x64xf32, #tpu.memory_space<vmem>>, vector<1x16xf32>,
        %swap3A_490 = vector.shape_cast %swap3A_489 : vector<1x16xf32> to vector<16xf32>
        %swap3A_491 = vector.shape_cast %get3A_480 : vector<16xf32> to vector<1x16xf32>
        tpu.vector_store %swap3A_486[%swap3A_487, %swap3A_488], %swap3A_491 {strides = array<i32>} : memref<128x64xf32, #tpu.memory_space<vmem>>, vector<1x16xf32>,
        %add3A_492 = arith.constant 3 : i32
        %add3A_493 = arith.addi %mul3A_220, %add3A_492 : i32
        %get3A_494 = arith.constant 0 : i32
        %get3A_495 = arith.constant 0 : i32
        %get3A_496 = tpu.memref_slice %arg6[%scan3A_33, %get3A_494, %get3A_495] : memref<2x128x128xf32, #tpu.memory_space<vmem>> -> memref<1x128x128xf32, #tpu.memory_space<vmem>>
        %get3A_497 = tpu.memref_squeeze %get3A_496 : memref<1x128x128xf32, #tpu.memory_space<vmem>> -> memref<128x128xf32, #tpu.memory_space<vmem>>
        %get3A_498 = arith.index_cast %add3A_493 : i32 to index
        %get3A_499 = arith.constant 16 : index
        %get3A_500 = tpu.vector_load %get3A_497[%get3A_498, %get3A_499] {strides = array<i32>} : memref<128x128xf32, #tpu.memory_space<vmem>>, vector<1x16xf32>,
        %get3A_501 = vector.shape_cast %get3A_500 : vector<1x16xf32> to vector<16xf32>
        %add3A_502 = arith.constant 3 : i32
        %add3A_503 = arith.addi %mul3A_220, %add3A_502 : i32
        %swap3A_504 = arith.constant 0 : i32
        %swap3A_505 = arith.constant 0 : i32
        %swap3A_506 = tpu.memref_slice %arg7[%scan3A_34, %swap3A_504, %swap3A_505] : memref<2x128x64xf32, #tpu.memory_space<vmem>> -> memref<1x128x64xf32, #tpu.memory_space<vmem>>
        %swap3A_507 = tpu.memref_squeeze %swap3A_506 : memref<1x128x64xf32, #tpu.memory_space<vmem>> -> memref<128x64xf32, #tpu.memory_space<vmem>>
        %swap3A_508 = arith.index_cast %add3A_503 : i32 to index
        %swap3A_509 = arith.constant 16 : index
        %swap3A_510 = tpu.vector_load %swap3A_507[%swap3A_508, %swap3A_509] {strides = array<i32>} : memref<128x64xf32, #tpu.memory_space<vmem>>, vector<1x16xf32>,
        %swap3A_511 = vector.shape_cast %swap3A_510 : vector<1x16xf32> to vector<16xf32>
        %swap3A_512 = vector.shape_cast %get3A_501 : vector<16xf32> to vector<1x16xf32>
        tpu.vector_store %swap3A_507[%swap3A_508, %swap3A_509], %swap3A_512 {strides = array<i32>} : memref<128x64xf32, #tpu.memory_space<vmem>>, vector<1x16xf32>,
        %add3A_513 = arith.constant 3 : i32
        %add3A_514 = arith.addi %mul3A_220, %add3A_513 : i32
        %get3A_515 = arith.constant 0 : i32
        %get3A_516 = arith.constant 0 : i32
        %get3A_517 = tpu.memref_slice %arg6[%scan3A_33, %get3A_515, %get3A_516] : memref<2x128x128xf32, #tpu.memory_space<vmem>> -> memref<1x128x128xf32, #tpu.memory_space<vmem>>
        %get3A_518 = tpu.memref_squeeze %get3A_517 : memref<1x128x128xf32, #tpu.memory_space<vmem>> -> memref<128x128xf32, #tpu.memory_space<vmem>>
        %get3A_519 = arith.index_cast %add3A_514 : i32 to index
        %get3A_520 = arith.constant 32 : index
        %get3A_521 = tpu.vector_load %get3A_518[%get3A_519, %get3A_520] {strides = array<i32>} : memref<128x128xf32, #tpu.memory_space<vmem>>, vector<1x16xf32>,
        %get3A_522 = vector.shape_cast %get3A_521 : vector<1x16xf32> to vector<16xf32>
        %add3A_523 = arith.constant 3 : i32
        %add3A_524 = arith.addi %mul3A_220, %add3A_523 : i32
        %swap3A_525 = arith.constant 0 : i32
        %swap3A_526 = arith.constant 0 : i32
        %swap3A_527 = tpu.memref_slice %arg7[%scan3A_34, %swap3A_525, %swap3A_526] : memref<2x128x64xf32, #tpu.memory_space<vmem>> -> memref<1x128x64xf32, #tpu.memory_space<vmem>>
        %swap3A_528 = tpu.memref_squeeze %swap3A_527 : memref<1x128x64xf32, #tpu.memory_space<vmem>> -> memref<128x64xf32, #tpu.memory_space<vmem>>
        %swap3A_529 = arith.index_cast %add3A_524 : i32 to index
        %swap3A_530 = arith.constant 32 : index
        %swap3A_531 = tpu.vector_load %swap3A_528[%swap3A_529, %swap3A_530] {strides = array<i32>} : memref<128x64xf32, #tpu.memory_space<vmem>>, vector<1x16xf32>,
        %swap3A_532 = vector.shape_cast %swap3A_531 : vector<1x16xf32> to vector<16xf32>
        %swap3A_533 = vector.shape_cast %get3A_522 : vector<16xf32> to vector<1x16xf32>
        tpu.vector_store %swap3A_528[%swap3A_529, %swap3A_530], %swap3A_533 {strides = array<i32>} : memref<128x64xf32, #tpu.memory_space<vmem>>, vector<1x16xf32>,
        %add3A_534 = arith.constant 3 : i32
        %add3A_535 = arith.addi %mul3A_220, %add3A_534 : i32
        %get3A_536 = arith.constant 0 : i32
        %get3A_537 = arith.constant 0 : i32
        %get3A_538 = tpu.memref_slice %arg6[%scan3A_33, %get3A_536, %get3A_537] : memref<2x128x128xf32, #tpu.memory_space<vmem>> -> memref<1x128x128xf32, #tpu.memory_space<vmem>>
        %get3A_539 = tpu.memref_squeeze %get3A_538 : memref<1x128x128xf32, #tpu.memory_space<vmem>> -> memref<128x128xf32, #tpu.memory_space<vmem>>
        %get3A_540 = arith.index_cast %add3A_535 : i32 to index
        %get3A_541 = arith.constant 48 : index
        %get3A_542 = tpu.vector_load %get3A_539[%get3A_540, %get3A_541] {strides = array<i32>} : memref<128x128xf32, #tpu.memory_space<vmem>>, vector<1x16xf32>,
        %get3A_543 = vector.shape_cast %get3A_542 : vector<1x16xf32> to vector<16xf32>
        %add3A_544 = arith.constant 3 : i32
        %add3A_545 = arith.addi %mul3A_220, %add3A_544 : i32
        %swap3A_546 = arith.constant 0 : i32
        %swap3A_547 = arith.constant 0 : i32
        %swap3A_548 = tpu.memref_slice %arg7[%scan3A_34, %swap3A_546, %swap3A_547] : memref<2x128x64xf32, #tpu.memory_space<vmem>> -> memref<1x128x64xf32, #tpu.memory_space<vmem>>
        %swap3A_549 = tpu.memref_squeeze %swap3A_548 : memref<1x128x64xf32, #tpu.memory_space<vmem>> -> memref<128x64xf32, #tpu.memory_space<vmem>>
        %swap3A_550 = arith.index_cast %add3A_545 : i32 to index
        %swap3A_551 = arith.constant 48 : index
        %swap3A_552 = tpu.vector_load %swap3A_549[%swap3A_550, %swap3A_551] {strides = array<i32>} : memref<128x64xf32, #tpu.memory_space<vmem>>, vector<1x16xf32>,
        %swap3A_553 = vector.shape_cast %swap3A_552 : vector<1x16xf32> to vector<16xf32>
        %swap3A_554 = vector.shape_cast %get3A_543 : vector<16xf32> to vector<1x16xf32>
        tpu.vector_store %swap3A_549[%swap3A_550, %swap3A_551], %swap3A_554 {strides = array<i32>} : memref<128x64xf32, #tpu.memory_space<vmem>>, vector<1x16xf32>,
      }
      %scan3A_136 = arith.constant 32 : i32
      %add3A_137 = arith.addi %mul3A_2, %scan3A_82 : i32
      %mul3A_138 = arith.constant 200 : i32
      %mul3A_139 = arith.muli %add3A_137, %mul3A_138 : i32
      %add3A_140 = arith.constant 0 : i32
      %add3A_141 = arith.addi %mul3A_139, %add3A_140 : i32
      %dma_start3A_142 = arith.constant 0 : i32
      %dma_start3A_143 = arith.constant 0 : i32
      %dma_start3A_144 = tpu.memref_slice %arg7[%scan3A_34, %dma_start3A_142, %dma_start3A_143] : memref<2x128x64xf32, #tpu.memory_space<vmem>> -> memref<1x128x64xf32, #tpu.memory_space<vmem>>
      %dma_start3A_145 = tpu.memref_squeeze %dma_start3A_144 : memref<1x128x64xf32, #tpu.memory_space<vmem>> -> memref<128x64xf32, #tpu.memory_space<vmem>>
      %dma_start3A_146 = arith.constant 0 : i32
      %dma_start3A_147 = arith.constant 0 : i32
      %dma_start3A_148 = tpu.memref_slice %dma_start3A_145[%dma_start3A_146, %dma_start3A_147] : memref<128x64xf32, #tpu.memory_space<vmem>> -> memref<128x64xf32, #tpu.memory_space<vmem>>
      %dma_start3A_149 = arith.constant 0 : i32
      %dma_start3A_150 = tpu.memref_slice %arg4[%add3A_141, %dma_start3A_149] : memref<819200x64xf32, #tpu.memory_space<hbm>> -> memref<128x64xf32, #tpu.memory_space<hbm>>
      %dma_start3A_151 = arith.constant 0 : i32
      %dma_start3A_152 = tpu.memref_slice %arg4[%add3A_141, %dma_start3A_151] : memref<819200x64xf32, #tpu.memory_space<hbm>> -> memref<128x64xf32, #tpu.memory_space<hbm>>
      %dma_start3A_153 = arith.constant 0 : i32
      %dma_start3A_154 = arith.constant 0 : i32
      %dma_start3A_155 = tpu.memref_slice %arg7[%scan3A_34, %dma_start3A_153, %dma_start3A_154] : memref<2x128x64xf32, #tpu.memory_space<vmem>> -> memref<1x128x64xf32, #tpu.memory_space<vmem>>
      %dma_start3A_156 = tpu.memref_squeeze %dma_start3A_155 : memref<1x128x64xf32, #tpu.memory_space<vmem>> -> memref<128x64xf32, #tpu.memory_space<vmem>>
      %dma_start3A_157 = arith.constant 0 : i32
      %dma_start3A_158 = arith.constant 0 : i32
      %dma_start3A_159 = tpu.memref_slice %dma_start3A_156[%dma_start3A_157, %dma_start3A_158] : memref<128x64xf32, #tpu.memory_space<vmem>> -> memref<128x64xf32, #tpu.memory_space<vmem>>
      tpu.enqueue_dma source(%dma_start3A_159 : memref<128x64xf32, #tpu.memory_space<vmem>>) target(%dma_start3A_152 : memref<128x64xf32, #tpu.memory_space<hbm>>) target_semaphore(%arg9 : memref<!tpu.dma_semaphore, #tpu.memory_space<semaphore_mem>>)
      %lt3A = arith.constant 127 : i32
      %lt3A_160 = arith.cmpi slt, %scan3A_82, %lt3A : i32
      %convert_element_type3A_161 = arith.extui %lt3A_160 : i1 to i32
      %cond3A_162 = arith.constant 0 : i32
      %cond3A_163 = arith.cmpi ne, %convert_element_type3A_161, %cond3A_162 : i32
      scf.if %cond3A_163 {
        %add3A_218 = arith.constant 1 : i32
        %add3A_219 = arith.addi %scan3A_82, %add3A_218 : i32
        %dma_start3A_220 = arith.constant 0 : i32
        %dma_start3A_221 = arith.constant 0 : i32
        %dma_start3A_222 = tpu.memref_slice %arg6[%scan3A_33, %dma_start3A_220, %dma_start3A_221] : memref<2x128x128xf32, #tpu.memory_space<vmem>> -> memref<1x128x128xf32, #tpu.memory_space<vmem>>
        %dma_start3A_223 = tpu.memref_squeeze %dma_start3A_222 : memref<1x128x128xf32, #tpu.memory_space<vmem>> -> memref<128x128xf32, #tpu.memory_space<vmem>>
        %dma_start3A_224 = arith.constant 0 : i32
        %dma_start3A_225 = arith.constant 0 : i32
        %dma_start3A_226 = tpu.memref_slice %dma_start3A_223[%dma_start3A_224, %dma_start3A_225] : memref<128x128xf32, #tpu.memory_space<vmem>> -> memref<64x128xf32, #tpu.memory_space<vmem>>
        %dma_start3A_227 = arith.constant 0 : i32
        %dma_start3A_228 = tpu.memref_slice %arg5[%add3A_219, %dma_start3A_227] : memref<128x200xi32, #tpu.memory_space<vmem>> -> memref<1x64xi32, #tpu.memory_space<vmem>>
        %dma_start3A_229 = tpu.memref_squeeze %dma_start3A_228 : memref<1x64xi32, #tpu.memory_space<vmem>> -> memref<64xi32, #tpu.memory_space<vmem>>
        %dma_start3A_230 = arith.constant 0 : i32
        %dma_start3A_231 = arith.constant 0 : i32
        %dma_start3A_232 = tpu.memref_slice %arg2[%dma_start3A_230, %dma_start3A_231] : memref<1000001x128xf32, #tpu.memory_space<hbm>> -> memref<1000001x128xf32, #tpu.memory_space<hbm>>
        tpu.enqueue_indirect_dma source(%dma_start3A_232 : memref<1000001x128xf32, #tpu.memory_space<hbm>>) target(%dma_start3A_226 : memref<64x128xf32, #tpu.memory_space<vmem>>) offsets(%dma_start3A_229 : memref<64xi32, #tpu.memory_space<vmem>>) semaphore(%arg8 : memref<!tpu.dma_semaphore, #tpu.memory_space<semaphore_mem>>)
        %dma_start3A_233 = arith.constant 0 : i32
        %dma_start3A_234 = arith.constant 0 : i32
        %dma_start3A_235 = tpu.memref_slice %arg6[%scan3A_33, %dma_start3A_233, %dma_start3A_234] : memref<2x128x128xf32, #tpu.memory_space<vmem>> -> memref<1x128x128xf32, #tpu.memory_space<vmem>>
        %dma_start3A_236 = tpu.memref_squeeze %dma_start3A_235 : memref<1x128x128xf32, #tpu.memory_space<vmem>> -> memref<128x128xf32, #tpu.memory_space<vmem>>
        %dma_start3A_237 = arith.constant 64 : i32
        %dma_start3A_238 = arith.constant 0 : i32
        %dma_start3A_239 = tpu.memref_slice %dma_start3A_236[%dma_start3A_237, %dma_start3A_238] : memref<128x128xf32, #tpu.memory_space<vmem>> -> memref<64x128xf32, #tpu.memory_space<vmem>>
        %dma_start3A_240 = arith.constant 64 : i32
        %dma_start3A_241 = tpu.memref_slice %arg5[%add3A_219, %dma_start3A_240] : memref<128x200xi32, #tpu.memory_space<vmem>> -> memref<1x64xi32, #tpu.memory_space<vmem>>
        %dma_start3A_242 = tpu.memref_squeeze %dma_start3A_241 : memref<1x64xi32, #tpu.memory_space<vmem>> -> memref<64xi32, #tpu.memory_space<vmem>>
        %dma_start3A_243 = arith.constant 0 : i32
        %dma_start3A_244 = arith.constant 0 : i32
        %dma_start3A_245 = tpu.memref_slice %arg2[%dma_start3A_243, %dma_start3A_244] : memref<1000001x128xf32, #tpu.memory_space<hbm>> -> memref<1000001x128xf32, #tpu.memory_space<hbm>>
        tpu.enqueue_indirect_dma source(%dma_start3A_245 : memref<1000001x128xf32, #tpu.memory_space<hbm>>) target(%dma_start3A_239 : memref<64x128xf32, #tpu.memory_space<vmem>>) offsets(%dma_start3A_242 : memref<64xi32, #tpu.memory_space<vmem>>) semaphore(%arg8 : memref<!tpu.dma_semaphore, #tpu.memory_space<semaphore_mem>>)
      } else {
      }
      %dma_wait3A_164 = arith.constant 0 : i32
      %dma_wait3A_165 = arith.constant 0 : i32
      %dma_wait3A_166 = tpu.memref_slice %arg6[%scan3A_32, %dma_wait3A_164, %dma_wait3A_165] : memref<2x128x128xf32, #tpu.memory_space<vmem>> -> memref<1x128x128xf32, #tpu.memory_space<vmem>>
      %dma_wait3A_167 = tpu.memref_squeeze %dma_wait3A_166 : memref<1x128x128xf32, #tpu.memory_space<vmem>> -> memref<128x128xf32, #tpu.memory_space<vmem>>
      %dma_wait3A_168 = arith.constant 0 : i32
      %dma_wait3A_169 = arith.constant 0 : i32
      %dma_wait3A_170 = tpu.memref_slice %dma_wait3A_167[%dma_wait3A_168, %dma_wait3A_169] : memref<128x128xf32, #tpu.memory_space<vmem>> -> memref<72x128xf32, #tpu.memory_space<vmem>>
      %dma_wait3A_171 = arith.constant 0 : i32
      %dma_wait3A_172 = arith.constant 0 : i32
      %dma_wait3A_173 = tpu.memref_slice %arg2[%dma_wait3A_171, %dma_wait3A_172] : memref<1000001x128xf32, #tpu.memory_space<hbm>> -> memref<72x128xf32, #tpu.memory_space<hbm>>
      %dma_wait3A_174 = arith.constant 0 : i32
      %dma_wait3A_175 = arith.constant 0 : i32
      %dma_wait3A_176 = tpu.memref_slice %arg6[%scan3A_32, %dma_wait3A_174, %dma_wait3A_175] : memref<2x128x128xf32, #tpu.memory_space<vmem>> -> memref<1x128x128xf32, #tpu.memory_space<vmem>>
      %dma_wait3A_177 = tpu.memref_squeeze %dma_wait3A_176 : memref<1x128x128xf32, #tpu.memory_space<vmem>> -> memref<128x128xf32, #tpu.memory_space<vmem>>
      %dma_wait3A_178 = arith.constant 0 : i32
      %dma_wait3A_179 = arith.constant 0 : i32
      %dma_wait3A_180 = tpu.memref_slice %dma_wait3A_177[%dma_wait3A_178, %dma_wait3A_179] : memref<128x128xf32, #tpu.memory_space<vmem>> -> memref<72x128xf32, #tpu.memory_space<vmem>>
      %dma_wait3A_181 = arith.constant 0 : i32
      %dma_wait3A_182 = arith.constant 0 : i32
      %dma_wait3A_183 = tpu.memref_slice %arg2[%dma_wait3A_181, %dma_wait3A_182] : memref<1000001x128xf32, #tpu.memory_space<hbm>> -> memref<72x128xf32, #tpu.memory_space<hbm>>
      tpu.wait_dma2 semaphore(%arg8 : memref<!tpu.dma_semaphore, #tpu.memory_space<semaphore_mem>>) src(%dma_wait3A_183 : memref<72x128xf32, #tpu.memory_space<hbm>>) dst(%dma_wait3A_180 : memref<72x128xf32, #tpu.memory_space<vmem>>)
      %gt3A_184 = arith.constant 0 : i32
      %gt3A_185 = arith.cmpi sgt, %scan3A_82, %gt3A_184 : i32
      %convert_element_type3A_186 = arith.extui %gt3A_185 : i1 to i32
      %cond3A_187 = arith.constant 0 : i32
      %cond3A_188 = arith.cmpi ne, %convert_element_type3A_186, %cond3A_187 : i32
      scf.if %cond3A_188 {
        %dma_wait3A_218 = arith.constant 0 : i32
        %dma_wait3A_219 = arith.constant 0 : i32
        %dma_wait3A_220 = tpu.memref_slice %arg7[%scan3A_35, %dma_wait3A_218, %dma_wait3A_219] : memref<2x128x64xf32, #tpu.memory_space<vmem>> -> memref<1x128x64xf32, #tpu.memory_space<vmem>>
        %dma_wait3A_221 = tpu.memref_squeeze %dma_wait3A_220 : memref<1x128x64xf32, #tpu.memory_space<vmem>> -> memref<128x64xf32, #tpu.memory_space<vmem>>
        %dma_wait3A_222 = arith.constant 0 : i32
        %dma_wait3A_223 = arith.constant 0 : i32
        %dma_wait3A_224 = tpu.memref_slice %dma_wait3A_221[%dma_wait3A_222, %dma_wait3A_223] : memref<128x64xf32, #tpu.memory_space<vmem>> -> memref<72x64xf32, #tpu.memory_space<vmem>>
        %dma_wait3A_225 = arith.constant 0 : i32
        %dma_wait3A_226 = arith.constant 0 : i32
        %dma_wait3A_227 = tpu.memref_slice %arg4[%dma_wait3A_225, %dma_wait3A_226] : memref<819200x64xf32, #tpu.memory_space<hbm>> -> memref<72x64xf32, #tpu.memory_space<hbm>>
        %dma_wait3A_228 = arith.constant 0 : i32
        %dma_wait3A_229 = arith.constant 0 : i32
        %dma_wait3A_230 = tpu.memref_slice %arg4[%dma_wait3A_228, %dma_wait3A_229] : memref<819200x64xf32, #tpu.memory_space<hbm>> -> memref<72x64xf32, #tpu.memory_space<hbm>>
        %dma_wait3A_231 = arith.constant 0 : i32
        %dma_wait3A_232 = arith.constant 0 : i32
        %dma_wait3A_233 = tpu.memref_slice %arg7[%scan3A_35, %dma_wait3A_231, %dma_wait3A_232] : memref<2x128x64xf32, #tpu.memory_space<vmem>> -> memref<1x128x64xf32, #tpu.memory_space<vmem>>
        %dma_wait3A_234 = tpu.memref_squeeze %dma_wait3A_233 : memref<1x128x64xf32, #tpu.memory_space<vmem>> -> memref<128x64xf32, #tpu.memory_space<vmem>>
        %dma_wait3A_235 = arith.constant 0 : i32
        %dma_wait3A_236 = arith.constant 0 : i32
        %dma_wait3A_237 = tpu.memref_slice %dma_wait3A_234[%dma_wait3A_235, %dma_wait3A_236] : memref<128x64xf32, #tpu.memory_space<vmem>> -> memref<72x64xf32, #tpu.memory_space<vmem>>
        tpu.wait_dma2 semaphore(%arg9 : memref<!tpu.dma_semaphore, #tpu.memory_space<semaphore_mem>>) src(%dma_wait3A_237 : memref<72x64xf32, #tpu.memory_space<vmem>>) dst(%dma_wait3A_230 : memref<72x64xf32, #tpu.memory_space<hbm>>)
      } else {
      }
      %scan3A_189 = arith.constant 0 : i32
      %scan3A_190 = arith.constant 0 : i32
      %scan3A_191 = arith.constant 18 : i32
      %scan3A_192 = arith.addi %scan3A_190, %scan3A_191 : i32
      %scan3A_193 = arith.constant 1 : i32
      scf.for %scan3A_218 = %scan3A_190 to %scan3A_192 step %scan3A_193  : i32 {
        %mul3A_219 = arith.constant 4 : i32
        %mul3A_220 = arith.muli %scan3A_218, %mul3A_219 : i32
        %add3A_221 = arith.constant 0 : i32
        %add3A_222 = arith.addi %mul3A_220, %add3A_221 : i32
        %get3A = arith.constant 0 : i32
        %get3A_223 = arith.constant 0 : i32
        %get3A_224 = tpu.memref_slice %arg6[%scan3A_32, %get3A, %get3A_223] : memref<2x128x128xf32, #tpu.memory_space<vmem>> -> memref<1x128x128xf32, #tpu.memory_space<vmem>>
        %get3A_225 = tpu.memref_squeeze %get3A_224 : memref<1x128x128xf32, #tpu.memory_space<vmem>> -> memref<128x128xf32, #tpu.memory_space<vmem>>
        %get3A_226 = arith.index_cast %add3A_222 : i32 to index
        %get3A_227 = arith.constant 0 : index
        %get3A_228 = tpu.vector_load %get3A_225[%get3A_226, %get3A_227] {strides = array<i32>} : memref<128x128xf32, #tpu.memory_space<vmem>>, vector<1x16xf32>,
        %get3A_229 = vector.shape_cast %get3A_228 : vector<1x16xf32> to vector<16xf32>
        %add3A_230 = arith.constant 0 : i32
        %add3A_231 = arith.addi %mul3A_220, %add3A_230 : i32
        %swap3A = arith.constant 0 : i32
        %swap3A_232 = arith.constant 0 : i32
        %swap3A_233 = tpu.memref_slice %arg7[%scan3A_35, %swap3A, %swap3A_232] : memref<2x128x64xf32, #tpu.memory_space<vmem>> -> memref<1x128x64xf32, #tpu.memory_space<vmem>>
        %swap3A_234 = tpu.memref_squeeze %swap3A_233 : memref<1x128x64xf32, #tpu.memory_space<vmem>> -> memref<128x64xf32, #tpu.memory_space<vmem>>
        %swap3A_235 = arith.index_cast %add3A_231 : i32 to index
        %swap3A_236 = arith.constant 0 : index
        %swap3A_237 = tpu.vector_load %swap3A_234[%swap3A_235, %swap3A_236] {strides = array<i32>} : memref<128x64xf32, #tpu.memory_space<vmem>>, vector<1x16xf32>,
        %swap3A_238 = vector.shape_cast %swap3A_237 : vector<1x16xf32> to vector<16xf32>
        %swap3A_239 = vector.shape_cast %get3A_229 : vector<16xf32> to vector<1x16xf32>
        tpu.vector_store %swap3A_234[%swap3A_235, %swap3A_236], %swap3A_239 {strides = array<i32>} : memref<128x64xf32, #tpu.memory_space<vmem>>, vector<1x16xf32>,
        %add3A_240 = arith.constant 0 : i32
        %add3A_241 = arith.addi %mul3A_220, %add3A_240 : i32
        %get3A_242 = arith.constant 0 : i32
        %get3A_243 = arith.constant 0 : i32
        %get3A_244 = tpu.memref_slice %arg6[%scan3A_32, %get3A_242, %get3A_243] : memref<2x128x128xf32, #tpu.memory_space<vmem>> -> memref<1x128x128xf32, #tpu.memory_space<vmem>>
        %get3A_245 = tpu.memref_squeeze %get3A_244 : memref<1x128x128xf32, #tpu.memory_space<vmem>> -> memref<128x128xf32, #tpu.memory_space<vmem>>
        %get3A_246 = arith.index_cast %add3A_241 : i32 to index
        %get3A_247 = arith.constant 16 : index
        %get3A_248 = tpu.vector_load %get3A_245[%get3A_246, %get3A_247] {strides = array<i32>} : memref<128x128xf32, #tpu.memory_space<vmem>>, vector<1x16xf32>,
        %get3A_249 = vector.shape_cast %get3A_248 : vector<1x16xf32> to vector<16xf32>
        %add3A_250 = arith.constant 0 : i32
        %add3A_251 = arith.addi %mul3A_220, %add3A_250 : i32
        %swap3A_252 = arith.constant 0 : i32
        %swap3A_253 = arith.constant 0 : i32
        %swap3A_254 = tpu.memref_slice %arg7[%scan3A_35, %swap3A_252, %swap3A_253] : memref<2x128x64xf32, #tpu.memory_space<vmem>> -> memref<1x128x64xf32, #tpu.memory_space<vmem>>
        %swap3A_255 = tpu.memref_squeeze %swap3A_254 : memref<1x128x64xf32, #tpu.memory_space<vmem>> -> memref<128x64xf32, #tpu.memory_space<vmem>>
        %swap3A_256 = arith.index_cast %add3A_251 : i32 to index
        %swap3A_257 = arith.constant 16 : index
        %swap3A_258 = tpu.vector_load %swap3A_255[%swap3A_256, %swap3A_257] {strides = array<i32>} : memref<128x64xf32, #tpu.memory_space<vmem>>, vector<1x16xf32>,
        %swap3A_259 = vector.shape_cast %swap3A_258 : vector<1x16xf32> to vector<16xf32>
        %swap3A_260 = vector.shape_cast %get3A_249 : vector<16xf32> to vector<1x16xf32>
        tpu.vector_store %swap3A_255[%swap3A_256, %swap3A_257], %swap3A_260 {strides = array<i32>} : memref<128x64xf32, #tpu.memory_space<vmem>>, vector<1x16xf32>,
        %add3A_261 = arith.constant 0 : i32
        %add3A_262 = arith.addi %mul3A_220, %add3A_261 : i32
        %get3A_263 = arith.constant 0 : i32
        %get3A_264 = arith.constant 0 : i32
        %get3A_265 = tpu.memref_slice %arg6[%scan3A_32, %get3A_263, %get3A_264] : memref<2x128x128xf32, #tpu.memory_space<vmem>> -> memref<1x128x128xf32, #tpu.memory_space<vmem>>
        %get3A_266 = tpu.memref_squeeze %get3A_265 : memref<1x128x128xf32, #tpu.memory_space<vmem>> -> memref<128x128xf32, #tpu.memory_space<vmem>>
        %get3A_267 = arith.index_cast %add3A_262 : i32 to index
        %get3A_268 = arith.constant 32 : index
        %get3A_269 = tpu.vector_load %get3A_266[%get3A_267, %get3A_268] {strides = array<i32>} : memref<128x128xf32, #tpu.memory_space<vmem>>, vector<1x16xf32>,
        %get3A_270 = vector.shape_cast %get3A_269 : vector<1x16xf32> to vector<16xf32>
        %add3A_271 = arith.constant 0 : i32
        %add3A_272 = arith.addi %mul3A_220, %add3A_271 : i32
        %swap3A_273 = arith.constant 0 : i32
        %swap3A_274 = arith.constant 0 : i32
        %swap3A_275 = tpu.memref_slice %arg7[%scan3A_35, %swap3A_273, %swap3A_274] : memref<2x128x64xf32, #tpu.memory_space<vmem>> -> memref<1x128x64xf32, #tpu.memory_space<vmem>>
        %swap3A_276 = tpu.memref_squeeze %swap3A_275 : memref<1x128x64xf32, #tpu.memory_space<vmem>> -> memref<128x64xf32, #tpu.memory_space<vmem>>
        %swap3A_277 = arith.index_cast %add3A_272 : i32 to index
        %swap3A_278 = arith.constant 32 : index
        %swap3A_279 = tpu.vector_load %swap3A_276[%swap3A_277, %swap3A_278] {strides = array<i32>} : memref<128x64xf32, #tpu.memory_space<vmem>>, vector<1x16xf32>,
        %swap3A_280 = vector.shape_cast %swap3A_279 : vector<1x16xf32> to vector<16xf32>
        %swap3A_281 = vector.shape_cast %get3A_270 : vector<16xf32> to vector<1x16xf32>
        tpu.vector_store %swap3A_276[%swap3A_277, %swap3A_278], %swap3A_281 {strides = array<i32>} : memref<128x64xf32, #tpu.memory_space<vmem>>, vector<1x16xf32>,
        %add3A_282 = arith.constant 0 : i32
        %add3A_283 = arith.addi %mul3A_220, %add3A_282 : i32
        %get3A_284 = arith.constant 0 : i32
        %get3A_285 = arith.constant 0 : i32
        %get3A_286 = tpu.memref_slice %arg6[%scan3A_32, %get3A_284, %get3A_285] : memref<2x128x128xf32, #tpu.memory_space<vmem>> -> memref<1x128x128xf32, #tpu.memory_space<vmem>>
        %get3A_287 = tpu.memref_squeeze %get3A_286 : memref<1x128x128xf32, #tpu.memory_space<vmem>> -> memref<128x128xf32, #tpu.memory_space<vmem>>
        %get3A_288 = arith.index_cast %add3A_283 : i32 to index
        %get3A_289 = arith.constant 48 : index
        %get3A_290 = tpu.vector_load %get3A_287[%get3A_288, %get3A_289] {strides = array<i32>} : memref<128x128xf32, #tpu.memory_space<vmem>>, vector<1x16xf32>,
        %get3A_291 = vector.shape_cast %get3A_290 : vector<1x16xf32> to vector<16xf32>
        %add3A_292 = arith.constant 0 : i32
        %add3A_293 = arith.addi %mul3A_220, %add3A_292 : i32
        %swap3A_294 = arith.constant 0 : i32
        %swap3A_295 = arith.constant 0 : i32
        %swap3A_296 = tpu.memref_slice %arg7[%scan3A_35, %swap3A_294, %swap3A_295] : memref<2x128x64xf32, #tpu.memory_space<vmem>> -> memref<1x128x64xf32, #tpu.memory_space<vmem>>
        %swap3A_297 = tpu.memref_squeeze %swap3A_296 : memref<1x128x64xf32, #tpu.memory_space<vmem>> -> memref<128x64xf32, #tpu.memory_space<vmem>>
        %swap3A_298 = arith.index_cast %add3A_293 : i32 to index
        %swap3A_299 = arith.constant 48 : index
        %swap3A_300 = tpu.vector_load %swap3A_297[%swap3A_298, %swap3A_299] {strides = array<i32>} : memref<128x64xf32, #tpu.memory_space<vmem>>, vector<1x16xf32>,
        %swap3A_301 = vector.shape_cast %swap3A_300 : vector<1x16xf32> to vector<16xf32>
        %swap3A_302 = vector.shape_cast %get3A_291 : vector<16xf32> to vector<1x16xf32>
        tpu.vector_store %swap3A_297[%swap3A_298, %swap3A_299], %swap3A_302 {strides = array<i32>} : memref<128x64xf32, #tpu.memory_space<vmem>>, vector<1x16xf32>,
        %add3A_303 = arith.constant 1 : i32
        %add3A_304 = arith.addi %mul3A_220, %add3A_303 : i32
        %get3A_305 = arith.constant 0 : i32
        %get3A_306 = arith.constant 0 : i32
        %get3A_307 = tpu.memref_slice %arg6[%scan3A_32, %get3A_305, %get3A_306] : memref<2x128x128xf32, #tpu.memory_space<vmem>> -> memref<1x128x128xf32, #tpu.memory_space<vmem>>
        %get3A_308 = tpu.memref_squeeze %get3A_307 : memref<1x128x128xf32, #tpu.memory_space<vmem>> -> memref<128x128xf32, #tpu.memory_space<vmem>>
        %get3A_309 = arith.index_cast %add3A_304 : i32 to index
        %get3A_310 = arith.constant 0 : index
        %get3A_311 = tpu.vector_load %get3A_308[%get3A_309, %get3A_310] {strides = array<i32>} : memref<128x128xf32, #tpu.memory_space<vmem>>, vector<1x16xf32>,
        %get3A_312 = vector.shape_cast %get3A_311 : vector<1x16xf32> to vector<16xf32>
        %add3A_313 = arith.constant 1 : i32
        %add3A_314 = arith.addi %mul3A_220, %add3A_313 : i32
        %swap3A_315 = arith.constant 0 : i32
        %swap3A_316 = arith.constant 0 : i32
        %swap3A_317 = tpu.memref_slice %arg7[%scan3A_35, %swap3A_315, %swap3A_316] : memref<2x128x64xf32, #tpu.memory_space<vmem>> -> memref<1x128x64xf32, #tpu.memory_space<vmem>>
        %swap3A_318 = tpu.memref_squeeze %swap3A_317 : memref<1x128x64xf32, #tpu.memory_space<vmem>> -> memref<128x64xf32, #tpu.memory_space<vmem>>
        %swap3A_319 = arith.index_cast %add3A_314 : i32 to index
        %swap3A_320 = arith.constant 0 : index
        %swap3A_321 = tpu.vector_load %swap3A_318[%swap3A_319, %swap3A_320] {strides = array<i32>} : memref<128x64xf32, #tpu.memory_space<vmem>>, vector<1x16xf32>,
        %swap3A_322 = vector.shape_cast %swap3A_321 : vector<1x16xf32> to vector<16xf32>
        %swap3A_323 = vector.shape_cast %get3A_312 : vector<16xf32> to vector<1x16xf32>
        tpu.vector_store %swap3A_318[%swap3A_319, %swap3A_320], %swap3A_323 {strides = array<i32>} : memref<128x64xf32, #tpu.memory_space<vmem>>, vector<1x16xf32>,
        %add3A_324 = arith.constant 1 : i32
        %add3A_325 = arith.addi %mul3A_220, %add3A_324 : i32
        %get3A_326 = arith.constant 0 : i32
        %get3A_327 = arith.constant 0 : i32
        %get3A_328 = tpu.memref_slice %arg6[%scan3A_32, %get3A_326, %get3A_327] : memref<2x128x128xf32, #tpu.memory_space<vmem>> -> memref<1x128x128xf32, #tpu.memory_space<vmem>>
        %get3A_329 = tpu.memref_squeeze %get3A_328 : memref<1x128x128xf32, #tpu.memory_space<vmem>> -> memref<128x128xf32, #tpu.memory_space<vmem>>
        %get3A_330 = arith.index_cast %add3A_325 : i32 to index
        %get3A_331 = arith.constant 16 : index
        %get3A_332 = tpu.vector_load %get3A_329[%get3A_330, %get3A_331] {strides = array<i32>} : memref<128x128xf32, #tpu.memory_space<vmem>>, vector<1x16xf32>,
        %get3A_333 = vector.shape_cast %get3A_332 : vector<1x16xf32> to vector<16xf32>
        %add3A_334 = arith.constant 1 : i32
        %add3A_335 = arith.addi %mul3A_220, %add3A_334 : i32
        %swap3A_336 = arith.constant 0 : i32
        %swap3A_337 = arith.constant 0 : i32
        %swap3A_338 = tpu.memref_slice %arg7[%scan3A_35, %swap3A_336, %swap3A_337] : memref<2x128x64xf32, #tpu.memory_space<vmem>> -> memref<1x128x64xf32, #tpu.memory_space<vmem>>
        %swap3A_339 = tpu.memref_squeeze %swap3A_338 : memref<1x128x64xf32, #tpu.memory_space<vmem>> -> memref<128x64xf32, #tpu.memory_space<vmem>>
        %swap3A_340 = arith.index_cast %add3A_335 : i32 to index
        %swap3A_341 = arith.constant 16 : index
        %swap3A_342 = tpu.vector_load %swap3A_339[%swap3A_340, %swap3A_341] {strides = array<i32>} : memref<128x64xf32, #tpu.memory_space<vmem>>, vector<1x16xf32>,
        %swap3A_343 = vector.shape_cast %swap3A_342 : vector<1x16xf32> to vector<16xf32>
        %swap3A_344 = vector.shape_cast %get3A_333 : vector<16xf32> to vector<1x16xf32>
        tpu.vector_store %swap3A_339[%swap3A_340, %swap3A_341], %swap3A_344 {strides = array<i32>} : memref<128x64xf32, #tpu.memory_space<vmem>>, vector<1x16xf32>,
        %add3A_345 = arith.constant 1 : i32
        %add3A_346 = arith.addi %mul3A_220, %add3A_345 : i32
        %get3A_347 = arith.constant 0 : i32
        %get3A_348 = arith.constant 0 : i32
        %get3A_349 = tpu.memref_slice %arg6[%scan3A_32, %get3A_347, %get3A_348] : memref<2x128x128xf32, #tpu.memory_space<vmem>> -> memref<1x128x128xf32, #tpu.memory_space<vmem>>
        %get3A_350 = tpu.memref_squeeze %get3A_349 : memref<1x128x128xf32, #tpu.memory_space<vmem>> -> memref<128x128xf32, #tpu.memory_space<vmem>>
        %get3A_351 = arith.index_cast %add3A_346 : i32 to index
        %get3A_352 = arith.constant 32 : index
        %get3A_353 = tpu.vector_load %get3A_350[%get3A_351, %get3A_352] {strides = array<i32>} : memref<128x128xf32, #tpu.memory_space<vmem>>, vector<1x16xf32>,
        %get3A_354 = vector.shape_cast %get3A_353 : vector<1x16xf32> to vector<16xf32>
        %add3A_355 = arith.constant 1 : i32
        %add3A_356 = arith.addi %mul3A_220, %add3A_355 : i32
        %swap3A_357 = arith.constant 0 : i32
        %swap3A_358 = arith.constant 0 : i32
        %swap3A_359 = tpu.memref_slice %arg7[%scan3A_35, %swap3A_357, %swap3A_358] : memref<2x128x64xf32, #tpu.memory_space<vmem>> -> memref<1x128x64xf32, #tpu.memory_space<vmem>>
        %swap3A_360 = tpu.memref_squeeze %swap3A_359 : memref<1x128x64xf32, #tpu.memory_space<vmem>> -> memref<128x64xf32, #tpu.memory_space<vmem>>
        %swap3A_361 = arith.index_cast %add3A_356 : i32 to index
        %swap3A_362 = arith.constant 32 : index
        %swap3A_363 = tpu.vector_load %swap3A_360[%swap3A_361, %swap3A_362] {strides = array<i32>} : memref<128x64xf32, #tpu.memory_space<vmem>>, vector<1x16xf32>,
        %swap3A_364 = vector.shape_cast %swap3A_363 : vector<1x16xf32> to vector<16xf32>
        %swap3A_365 = vector.shape_cast %get3A_354 : vector<16xf32> to vector<1x16xf32>
        tpu.vector_store %swap3A_360[%swap3A_361, %swap3A_362], %swap3A_365 {strides = array<i32>} : memref<128x64xf32, #tpu.memory_space<vmem>>, vector<1x16xf32>,
        %add3A_366 = arith.constant 1 : i32
        %add3A_367 = arith.addi %mul3A_220, %add3A_366 : i32
        %get3A_368 = arith.constant 0 : i32
        %get3A_369 = arith.constant 0 : i32
        %get3A_370 = tpu.memref_slice %arg6[%scan3A_32, %get3A_368, %get3A_369] : memref<2x128x128xf32, #tpu.memory_space<vmem>> -> memref<1x128x128xf32, #tpu.memory_space<vmem>>
        %get3A_371 = tpu.memref_squeeze %get3A_370 : memref<1x128x128xf32, #tpu.memory_space<vmem>> -> memref<128x128xf32, #tpu.memory_space<vmem>>
        %get3A_372 = arith.index_cast %add3A_367 : i32 to index
        %get3A_373 = arith.constant 48 : index
        %get3A_374 = tpu.vector_load %get3A_371[%get3A_372, %get3A_373] {strides = array<i32>} : memref<128x128xf32, #tpu.memory_space<vmem>>, vector<1x16xf32>,
        %get3A_375 = vector.shape_cast %get3A_374 : vector<1x16xf32> to vector<16xf32>
        %add3A_376 = arith.constant 1 : i32
        %add3A_377 = arith.addi %mul3A_220, %add3A_376 : i32
        %swap3A_378 = arith.constant 0 : i32
        %swap3A_379 = arith.constant 0 : i32
        %swap3A_380 = tpu.memref_slice %arg7[%scan3A_35, %swap3A_378, %swap3A_379] : memref<2x128x64xf32, #tpu.memory_space<vmem>> -> memref<1x128x64xf32, #tpu.memory_space<vmem>>
        %swap3A_381 = tpu.memref_squeeze %swap3A_380 : memref<1x128x64xf32, #tpu.memory_space<vmem>> -> memref<128x64xf32, #tpu.memory_space<vmem>>
        %swap3A_382 = arith.index_cast %add3A_377 : i32 to index
        %swap3A_383 = arith.constant 48 : index
        %swap3A_384 = tpu.vector_load %swap3A_381[%swap3A_382, %swap3A_383] {strides = array<i32>} : memref<128x64xf32, #tpu.memory_space<vmem>>, vector<1x16xf32>,
        %swap3A_385 = vector.shape_cast %swap3A_384 : vector<1x16xf32> to vector<16xf32>
        %swap3A_386 = vector.shape_cast %get3A_375 : vector<16xf32> to vector<1x16xf32>
        tpu.vector_store %swap3A_381[%swap3A_382, %swap3A_383], %swap3A_386 {strides = array<i32>} : memref<128x64xf32, #tpu.memory_space<vmem>>, vector<1x16xf32>,
        %add3A_387 = arith.constant 2 : i32
        %add3A_388 = arith.addi %mul3A_220, %add3A_387 : i32
        %get3A_389 = arith.constant 0 : i32
        %get3A_390 = arith.constant 0 : i32
        %get3A_391 = tpu.memref_slice %arg6[%scan3A_32, %get3A_389, %get3A_390] : memref<2x128x128xf32, #tpu.memory_space<vmem>> -> memref<1x128x128xf32, #tpu.memory_space<vmem>>
        %get3A_392 = tpu.memref_squeeze %get3A_391 : memref<1x128x128xf32, #tpu.memory_space<vmem>> -> memref<128x128xf32, #tpu.memory_space<vmem>>
        %get3A_393 = arith.index_cast %add3A_388 : i32 to index
        %get3A_394 = arith.constant 0 : index
        %get3A_395 = tpu.vector_load %get3A_392[%get3A_393, %get3A_394] {strides = array<i32>} : memref<128x128xf32, #tpu.memory_space<vmem>>, vector<1x16xf32>,
        %get3A_396 = vector.shape_cast %get3A_395 : vector<1x16xf32> to vector<16xf32>
        %add3A_397 = arith.constant 2 : i32
        %add3A_398 = arith.addi %mul3A_220, %add3A_397 : i32
        %swap3A_399 = arith.constant 0 : i32
        %swap3A_400 = arith.constant 0 : i32
        %swap3A_401 = tpu.memref_slice %arg7[%scan3A_35, %swap3A_399, %swap3A_400] : memref<2x128x64xf32, #tpu.memory_space<vmem>> -> memref<1x128x64xf32, #tpu.memory_space<vmem>>
        %swap3A_402 = tpu.memref_squeeze %swap3A_401 : memref<1x128x64xf32, #tpu.memory_space<vmem>> -> memref<128x64xf32, #tpu.memory_space<vmem>>
        %swap3A_403 = arith.index_cast %add3A_398 : i32 to index
        %swap3A_404 = arith.constant 0 : index
        %swap3A_405 = tpu.vector_load %swap3A_402[%swap3A_403, %swap3A_404] {strides = array<i32>} : memref<128x64xf32, #tpu.memory_space<vmem>>, vector<1x16xf32>,
        %swap3A_406 = vector.shape_cast %swap3A_405 : vector<1x16xf32> to vector<16xf32>
        %swap3A_407 = vector.shape_cast %get3A_396 : vector<16xf32> to vector<1x16xf32>
        tpu.vector_store %swap3A_402[%swap3A_403, %swap3A_404], %swap3A_407 {strides = array<i32>} : memref<128x64xf32, #tpu.memory_space<vmem>>, vector<1x16xf32>,
        %add3A_408 = arith.constant 2 : i32
        %add3A_409 = arith.addi %mul3A_220, %add3A_408 : i32
        %get3A_410 = arith.constant 0 : i32
        %get3A_411 = arith.constant 0 : i32
        %get3A_412 = tpu.memref_slice %arg6[%scan3A_32, %get3A_410, %get3A_411] : memref<2x128x128xf32, #tpu.memory_space<vmem>> -> memref<1x128x128xf32, #tpu.memory_space<vmem>>
        %get3A_413 = tpu.memref_squeeze %get3A_412 : memref<1x128x128xf32, #tpu.memory_space<vmem>> -> memref<128x128xf32, #tpu.memory_space<vmem>>
        %get3A_414 = arith.index_cast %add3A_409 : i32 to index
        %get3A_415 = arith.constant 16 : index
        %get3A_416 = tpu.vector_load %get3A_413[%get3A_414, %get3A_415] {strides = array<i32>} : memref<128x128xf32, #tpu.memory_space<vmem>>, vector<1x16xf32>,
        %get3A_417 = vector.shape_cast %get3A_416 : vector<1x16xf32> to vector<16xf32>
        %add3A_418 = arith.constant 2 : i32
        %add3A_419 = arith.addi %mul3A_220, %add3A_418 : i32
        %swap3A_420 = arith.constant 0 : i32
        %swap3A_421 = arith.constant 0 : i32
        %swap3A_422 = tpu.memref_slice %arg7[%scan3A_35, %swap3A_420, %swap3A_421] : memref<2x128x64xf32, #tpu.memory_space<vmem>> -> memref<1x128x64xf32, #tpu.memory_space<vmem>>
        %swap3A_423 = tpu.memref_squeeze %swap3A_422 : memref<1x128x64xf32, #tpu.memory_space<vmem>> -> memref<128x64xf32, #tpu.memory_space<vmem>>
        %swap3A_424 = arith.index_cast %add3A_419 : i32 to index
        %swap3A_425 = arith.constant 16 : index
        %swap3A_426 = tpu.vector_load %swap3A_423[%swap3A_424, %swap3A_425] {strides = array<i32>} : memref<128x64xf32, #tpu.memory_space<vmem>>, vector<1x16xf32>,
        %swap3A_427 = vector.shape_cast %swap3A_426 : vector<1x16xf32> to vector<16xf32>
        %swap3A_428 = vector.shape_cast %get3A_417 : vector<16xf32> to vector<1x16xf32>
        tpu.vector_store %swap3A_423[%swap3A_424, %swap3A_425], %swap3A_428 {strides = array<i32>} : memref<128x64xf32, #tpu.memory_space<vmem>>, vector<1x16xf32>,
        %add3A_429 = arith.constant 2 : i32
        %add3A_430 = arith.addi %mul3A_220, %add3A_429 : i32
        %get3A_431 = arith.constant 0 : i32
        %get3A_432 = arith.constant 0 : i32
        %get3A_433 = tpu.memref_slice %arg6[%scan3A_32, %get3A_431, %get3A_432] : memref<2x128x128xf32, #tpu.memory_space<vmem>> -> memref<1x128x128xf32, #tpu.memory_space<vmem>>
        %get3A_434 = tpu.memref_squeeze %get3A_433 : memref<1x128x128xf32, #tpu.memory_space<vmem>> -> memref<128x128xf32, #tpu.memory_space<vmem>>
        %get3A_435 = arith.index_cast %add3A_430 : i32 to index
        %get3A_436 = arith.constant 32 : index
        %get3A_437 = tpu.vector_load %get3A_434[%get3A_435, %get3A_436] {strides = array<i32>} : memref<128x128xf32, #tpu.memory_space<vmem>>, vector<1x16xf32>,
        %get3A_438 = vector.shape_cast %get3A_437 : vector<1x16xf32> to vector<16xf32>
        %add3A_439 = arith.constant 2 : i32
        %add3A_440 = arith.addi %mul3A_220, %add3A_439 : i32
        %swap3A_441 = arith.constant 0 : i32
        %swap3A_442 = arith.constant 0 : i32
        %swap3A_443 = tpu.memref_slice %arg7[%scan3A_35, %swap3A_441, %swap3A_442] : memref<2x128x64xf32, #tpu.memory_space<vmem>> -> memref<1x128x64xf32, #tpu.memory_space<vmem>>
        %swap3A_444 = tpu.memref_squeeze %swap3A_443 : memref<1x128x64xf32, #tpu.memory_space<vmem>> -> memref<128x64xf32, #tpu.memory_space<vmem>>
        %swap3A_445 = arith.index_cast %add3A_440 : i32 to index
        %swap3A_446 = arith.constant 32 : index
        %swap3A_447 = tpu.vector_load %swap3A_444[%swap3A_445, %swap3A_446] {strides = array<i32>} : memref<128x64xf32, #tpu.memory_space<vmem>>, vector<1x16xf32>,
        %swap3A_448 = vector.shape_cast %swap3A_447 : vector<1x16xf32> to vector<16xf32>
        %swap3A_449 = vector.shape_cast %get3A_438 : vector<16xf32> to vector<1x16xf32>
        tpu.vector_store %swap3A_444[%swap3A_445, %swap3A_446], %swap3A_449 {strides = array<i32>} : memref<128x64xf32, #tpu.memory_space<vmem>>, vector<1x16xf32>,
        %add3A_450 = arith.constant 2 : i32
        %add3A_451 = arith.addi %mul3A_220, %add3A_450 : i32
        %get3A_452 = arith.constant 0 : i32
        %get3A_453 = arith.constant 0 : i32
        %get3A_454 = tpu.memref_slice %arg6[%scan3A_32, %get3A_452, %get3A_453] : memref<2x128x128xf32, #tpu.memory_space<vmem>> -> memref<1x128x128xf32, #tpu.memory_space<vmem>>
        %get3A_455 = tpu.memref_squeeze %get3A_454 : memref<1x128x128xf32, #tpu.memory_space<vmem>> -> memref<128x128xf32, #tpu.memory_space<vmem>>
        %get3A_456 = arith.index_cast %add3A_451 : i32 to index
        %get3A_457 = arith.constant 48 : index
        %get3A_458 = tpu.vector_load %get3A_455[%get3A_456, %get3A_457] {strides = array<i32>} : memref<128x128xf32, #tpu.memory_space<vmem>>, vector<1x16xf32>,
        %get3A_459 = vector.shape_cast %get3A_458 : vector<1x16xf32> to vector<16xf32>
        %add3A_460 = arith.constant 2 : i32
        %add3A_461 = arith.addi %mul3A_220, %add3A_460 : i32
        %swap3A_462 = arith.constant 0 : i32
        %swap3A_463 = arith.constant 0 : i32
        %swap3A_464 = tpu.memref_slice %arg7[%scan3A_35, %swap3A_462, %swap3A_463] : memref<2x128x64xf32, #tpu.memory_space<vmem>> -> memref<1x128x64xf32, #tpu.memory_space<vmem>>
        %swap3A_465 = tpu.memref_squeeze %swap3A_464 : memref<1x128x64xf32, #tpu.memory_space<vmem>> -> memref<128x64xf32, #tpu.memory_space<vmem>>
        %swap3A_466 = arith.index_cast %add3A_461 : i32 to index
        %swap3A_467 = arith.constant 48 : index
        %swap3A_468 = tpu.vector_load %swap3A_465[%swap3A_466, %swap3A_467] {strides = array<i32>} : memref<128x64xf32, #tpu.memory_space<vmem>>, vector<1x16xf32>,
        %swap3A_469 = vector.shape_cast %swap3A_468 : vector<1x16xf32> to vector<16xf32>
        %swap3A_470 = vector.shape_cast %get3A_459 : vector<16xf32> to vector<1x16xf32>
        tpu.vector_store %swap3A_465[%swap3A_466, %swap3A_467], %swap3A_470 {strides = array<i32>} : memref<128x64xf32, #tpu.memory_space<vmem>>, vector<1x16xf32>,
        %add3A_471 = arith.constant 3 : i32
        %add3A_472 = arith.addi %mul3A_220, %add3A_471 : i32
        %get3A_473 = arith.constant 0 : i32
        %get3A_474 = arith.constant 0 : i32
        %get3A_475 = tpu.memref_slice %arg6[%scan3A_32, %get3A_473, %get3A_474] : memref<2x128x128xf32, #tpu.memory_space<vmem>> -> memref<1x128x128xf32, #tpu.memory_space<vmem>>
        %get3A_476 = tpu.memref_squeeze %get3A_475 : memref<1x128x128xf32, #tpu.memory_space<vmem>> -> memref<128x128xf32, #tpu.memory_space<vmem>>
        %get3A_477 = arith.index_cast %add3A_472 : i32 to index
        %get3A_478 = arith.constant 0 : index
        %get3A_479 = tpu.vector_load %get3A_476[%get3A_477, %get3A_478] {strides = array<i32>} : memref<128x128xf32, #tpu.memory_space<vmem>>, vector<1x16xf32>,
        %get3A_480 = vector.shape_cast %get3A_479 : vector<1x16xf32> to vector<16xf32>
        %add3A_481 = arith.constant 3 : i32
        %add3A_482 = arith.addi %mul3A_220, %add3A_481 : i32
        %swap3A_483 = arith.constant 0 : i32
        %swap3A_484 = arith.constant 0 : i32
        %swap3A_485 = tpu.memref_slice %arg7[%scan3A_35, %swap3A_483, %swap3A_484] : memref<2x128x64xf32, #tpu.memory_space<vmem>> -> memref<1x128x64xf32, #tpu.memory_space<vmem>>
        %swap3A_486 = tpu.memref_squeeze %swap3A_485 : memref<1x128x64xf32, #tpu.memory_space<vmem>> -> memref<128x64xf32, #tpu.memory_space<vmem>>
        %swap3A_487 = arith.index_cast %add3A_482 : i32 to index
        %swap3A_488 = arith.constant 0 : index
        %swap3A_489 = tpu.vector_load %swap3A_486[%swap3A_487, %swap3A_488] {strides = array<i32>} : memref<128x64xf32, #tpu.memory_space<vmem>>, vector<1x16xf32>,
        %swap3A_490 = vector.shape_cast %swap3A_489 : vector<1x16xf32> to vector<16xf32>
        %swap3A_491 = vector.shape_cast %get3A_480 : vector<16xf32> to vector<1x16xf32>
        tpu.vector_store %swap3A_486[%swap3A_487, %swap3A_488], %swap3A_491 {strides = array<i32>} : memref<128x64xf32, #tpu.memory_space<vmem>>, vector<1x16xf32>,
        %add3A_492 = arith.constant 3 : i32
        %add3A_493 = arith.addi %mul3A_220, %add3A_492 : i32
        %get3A_494 = arith.constant 0 : i32
        %get3A_495 = arith.constant 0 : i32
        %get3A_496 = tpu.memref_slice %arg6[%scan3A_32, %get3A_494, %get3A_495] : memref<2x128x128xf32, #tpu.memory_space<vmem>> -> memref<1x128x128xf32, #tpu.memory_space<vmem>>
        %get3A_497 = tpu.memref_squeeze %get3A_496 : memref<1x128x128xf32, #tpu.memory_space<vmem>> -> memref<128x128xf32, #tpu.memory_space<vmem>>
        %get3A_498 = arith.index_cast %add3A_493 : i32 to index
        %get3A_499 = arith.constant 16 : index
        %get3A_500 = tpu.vector_load %get3A_497[%get3A_498, %get3A_499] {strides = array<i32>} : memref<128x128xf32, #tpu.memory_space<vmem>>, vector<1x16xf32>,
        %get3A_501 = vector.shape_cast %get3A_500 : vector<1x16xf32> to vector<16xf32>
        %add3A_502 = arith.constant 3 : i32
        %add3A_503 = arith.addi %mul3A_220, %add3A_502 : i32
        %swap3A_504 = arith.constant 0 : i32
        %swap3A_505 = arith.constant 0 : i32
        %swap3A_506 = tpu.memref_slice %arg7[%scan3A_35, %swap3A_504, %swap3A_505] : memref<2x128x64xf32, #tpu.memory_space<vmem>> -> memref<1x128x64xf32, #tpu.memory_space<vmem>>
        %swap3A_507 = tpu.memref_squeeze %swap3A_506 : memref<1x128x64xf32, #tpu.memory_space<vmem>> -> memref<128x64xf32, #tpu.memory_space<vmem>>
        %swap3A_508 = arith.index_cast %add3A_503 : i32 to index
        %swap3A_509 = arith.constant 16 : index
        %swap3A_510 = tpu.vector_load %swap3A_507[%swap3A_508, %swap3A_509] {strides = array<i32>} : memref<128x64xf32, #tpu.memory_space<vmem>>, vector<1x16xf32>,
        %swap3A_511 = vector.shape_cast %swap3A_510 : vector<1x16xf32> to vector<16xf32>
        %swap3A_512 = vector.shape_cast %get3A_501 : vector<16xf32> to vector<1x16xf32>
        tpu.vector_store %swap3A_507[%swap3A_508, %swap3A_509], %swap3A_512 {strides = array<i32>} : memref<128x64xf32, #tpu.memory_space<vmem>>, vector<1x16xf32>,
        %add3A_513 = arith.constant 3 : i32
        %add3A_514 = arith.addi %mul3A_220, %add3A_513 : i32
        %get3A_515 = arith.constant 0 : i32
        %get3A_516 = arith.constant 0 : i32
        %get3A_517 = tpu.memref_slice %arg6[%scan3A_32, %get3A_515, %get3A_516] : memref<2x128x128xf32, #tpu.memory_space<vmem>> -> memref<1x128x128xf32, #tpu.memory_space<vmem>>
        %get3A_518 = tpu.memref_squeeze %get3A_517 : memref<1x128x128xf32, #tpu.memory_space<vmem>> -> memref<128x128xf32, #tpu.memory_space<vmem>>
        %get3A_519 = arith.index_cast %add3A_514 : i32 to index
        %get3A_520 = arith.constant 32 : index
        %get3A_521 = tpu.vector_load %get3A_518[%get3A_519, %get3A_520] {strides = array<i32>} : memref<128x128xf32, #tpu.memory_space<vmem>>, vector<1x16xf32>,
        %get3A_522 = vector.shape_cast %get3A_521 : vector<1x16xf32> to vector<16xf32>
        %add3A_523 = arith.constant 3 : i32
        %add3A_524 = arith.addi %mul3A_220, %add3A_523 : i32
        %swap3A_525 = arith.constant 0 : i32
        %swap3A_526 = arith.constant 0 : i32
        %swap3A_527 = tpu.memref_slice %arg7[%scan3A_35, %swap3A_525, %swap3A_526] : memref<2x128x64xf32, #tpu.memory_space<vmem>> -> memref<1x128x64xf32, #tpu.memory_space<vmem>>
        %swap3A_528 = tpu.memref_squeeze %swap3A_527 : memref<1x128x64xf32, #tpu.memory_space<vmem>> -> memref<128x64xf32, #tpu.memory_space<vmem>>
        %swap3A_529 = arith.index_cast %add3A_524 : i32 to index
        %swap3A_530 = arith.constant 32 : index
        %swap3A_531 = tpu.vector_load %swap3A_528[%swap3A_529, %swap3A_530] {strides = array<i32>} : memref<128x64xf32, #tpu.memory_space<vmem>>, vector<1x16xf32>,
        %swap3A_532 = vector.shape_cast %swap3A_531 : vector<1x16xf32> to vector<16xf32>
        %swap3A_533 = vector.shape_cast %get3A_522 : vector<16xf32> to vector<1x16xf32>
        tpu.vector_store %swap3A_528[%swap3A_529, %swap3A_530], %swap3A_533 {strides = array<i32>} : memref<128x64xf32, #tpu.memory_space<vmem>>, vector<1x16xf32>,
        %add3A_534 = arith.constant 3 : i32
        %add3A_535 = arith.addi %mul3A_220, %add3A_534 : i32
        %get3A_536 = arith.constant 0 : i32
        %get3A_537 = arith.constant 0 : i32
        %get3A_538 = tpu.memref_slice %arg6[%scan3A_32, %get3A_536, %get3A_537] : memref<2x128x128xf32, #tpu.memory_space<vmem>> -> memref<1x128x128xf32, #tpu.memory_space<vmem>>
        %get3A_539 = tpu.memref_squeeze %get3A_538 : memref<1x128x128xf32, #tpu.memory_space<vmem>> -> memref<128x128xf32, #tpu.memory_space<vmem>>
        %get3A_540 = arith.index_cast %add3A_535 : i32 to index
        %get3A_541 = arith.constant 48 : index
        %get3A_542 = tpu.vector_load %get3A_539[%get3A_540, %get3A_541] {strides = array<i32>} : memref<128x128xf32, #tpu.memory_space<vmem>>, vector<1x16xf32>,
        %get3A_543 = vector.shape_cast %get3A_542 : vector<1x16xf32> to vector<16xf32>
        %add3A_544 = arith.constant 3 : i32
        %add3A_545 = arith.addi %mul3A_220, %add3A_544 : i32
        %swap3A_546 = arith.constant 0 : i32
        %swap3A_547 = arith.constant 0 : i32
        %swap3A_548 = tpu.memref_slice %arg7[%scan3A_35, %swap3A_546, %swap3A_547] : memref<2x128x64xf32, #tpu.memory_space<vmem>> -> memref<1x128x64xf32, #tpu.memory_space<vmem>>
        %swap3A_549 = tpu.memref_squeeze %swap3A_548 : memref<1x128x64xf32, #tpu.memory_space<vmem>> -> memref<128x64xf32, #tpu.memory_space<vmem>>
        %swap3A_550 = arith.index_cast %add3A_545 : i32 to index
        %swap3A_551 = arith.constant 48 : index
        %swap3A_552 = tpu.vector_load %swap3A_549[%swap3A_550, %swap3A_551] {strides = array<i32>} : memref<128x64xf32, #tpu.memory_space<vmem>>, vector<1x16xf32>,
        %swap3A_553 = vector.shape_cast %swap3A_552 : vector<1x16xf32> to vector<16xf32>
        %swap3A_554 = vector.shape_cast %get3A_543 : vector<16xf32> to vector<1x16xf32>
        tpu.vector_store %swap3A_549[%swap3A_550, %swap3A_551], %swap3A_554 {strides = array<i32>} : memref<128x64xf32, #tpu.memory_space<vmem>>, vector<1x16xf32>,
      }
      %scan3A_194 = arith.constant 18 : i32
      %add3A_195 = arith.addi %mul3A_2, %scan3A_82 : i32
      %mul3A_196 = arith.constant 200 : i32
      %mul3A_197 = arith.muli %add3A_195, %mul3A_196 : i32
      %add3A_198 = arith.constant 128 : i32
      %add3A_199 = arith.addi %mul3A_197, %add3A_198 : i32
      %dma_start3A_200 = arith.constant 0 : i32
      %dma_start3A_201 = arith.constant 0 : i32
      %dma_start3A_202 = tpu.memref_slice %arg7[%scan3A_35, %dma_start3A_200, %dma_start3A_201] : memref<2x128x64xf32, #tpu.memory_space<vmem>> -> memref<1x128x64xf32, #tpu.memory_space<vmem>>
      %dma_start3A_203 = tpu.memref_squeeze %dma_start3A_202 : memref<1x128x64xf32, #tpu.memory_space<vmem>> -> memref<128x64xf32, #tpu.memory_space<vmem>>
      %dma_start3A_204 = arith.constant 0 : i32
      %dma_start3A_205 = arith.constant 0 : i32
      %dma_start3A_206 = tpu.memref_slice %dma_start3A_203[%dma_start3A_204, %dma_start3A_205] : memref<128x64xf32, #tpu.memory_space<vmem>> -> memref<72x64xf32, #tpu.memory_space<vmem>>
      %dma_start3A_207 = arith.constant 0 : i32
      %dma_start3A_208 = tpu.memref_slice %arg4[%add3A_199, %dma_start3A_207] : memref<819200x64xf32, #tpu.memory_space<hbm>> -> memref<72x64xf32, #tpu.memory_space<hbm>>
      %dma_start3A_209 = arith.constant 0 : i32
      %dma_start3A_210 = tpu.memref_slice %arg4[%add3A_199, %dma_start3A_209] : memref<819200x64xf32, #tpu.memory_space<hbm>> -> memref<72x64xf32, #tpu.memory_space<hbm>>
      %dma_start3A_211 = arith.constant 0 : i32
      %dma_start3A_212 = arith.constant 0 : i32
      %dma_start3A_213 = tpu.memref_slice %arg7[%scan3A_35, %dma_start3A_211, %dma_start3A_212] : memref<2x128x64xf32, #tpu.memory_space<vmem>> -> memref<1x128x64xf32, #tpu.memory_space<vmem>>
      %dma_start3A_214 = tpu.memref_squeeze %dma_start3A_213 : memref<1x128x64xf32, #tpu.memory_space<vmem>> -> memref<128x64xf32, #tpu.memory_space<vmem>>
      %dma_start3A_215 = arith.constant 0 : i32
      %dma_start3A_216 = arith.constant 0 : i32
      %dma_start3A_217 = tpu.memref_slice %dma_start3A_214[%dma_start3A_215, %dma_start3A_216] : memref<128x64xf32, #tpu.memory_space<vmem>> -> memref<72x64xf32, #tpu.memory_space<vmem>>
      tpu.enqueue_dma source(%dma_start3A_217 : memref<72x64xf32, #tpu.memory_space<vmem>>) target(%dma_start3A_210 : memref<72x64xf32, #tpu.memory_space<hbm>>) target_semaphore(%arg9 : memref<!tpu.dma_semaphore, #tpu.memory_space<semaphore_mem>>)
    }
    %scan3A_40 = arith.constant 128 : i32
    %dma_wait3A = arith.constant 0 : i32
    %dma_wait3A_41 = arith.constant 0 : i32
    %dma_wait3A_42 = arith.constant 0 : i32
    %dma_wait3A_43 = tpu.memref_slice %arg7[%dma_wait3A, %dma_wait3A_41, %dma_wait3A_42] : memref<2x128x64xf32, #tpu.memory_space<vmem>> -> memref<1x128x64xf32, #tpu.memory_space<vmem>>
    %dma_wait3A_44 = tpu.memref_squeeze %dma_wait3A_43 : memref<1x128x64xf32, #tpu.memory_space<vmem>> -> memref<128x64xf32, #tpu.memory_space<vmem>>
    %dma_wait3A_45 = arith.constant 0 : i32
    %dma_wait3A_46 = arith.constant 0 : i32
    %dma_wait3A_47 = tpu.memref_slice %dma_wait3A_44[%dma_wait3A_45, %dma_wait3A_46] : memref<128x64xf32, #tpu.memory_space<vmem>> -> memref<128x64xf32, #tpu.memory_space<vmem>>
    %dma_wait3A_48 = arith.constant 0 : i32
    %dma_wait3A_49 = arith.constant 0 : i32
    %dma_wait3A_50 = tpu.memref_slice %arg4[%dma_wait3A_48, %dma_wait3A_49] : memref<819200x64xf32, #tpu.memory_space<hbm>> -> memref<128x64xf32, #tpu.memory_space<hbm>>
    %dma_wait3A_51 = arith.constant 0 : i32
    %dma_wait3A_52 = arith.constant 0 : i32
    %dma_wait3A_53 = tpu.memref_slice %arg4[%dma_wait3A_51, %dma_wait3A_52] : memref<819200x64xf32, #tpu.memory_space<hbm>> -> memref<128x64xf32, #tpu.memory_space<hbm>>
    %dma_wait3A_54 = arith.constant 0 : i32
    %dma_wait3A_55 = arith.constant 0 : i32
    %dma_wait3A_56 = tpu.memref_slice %arg7[%dma_wait3A, %dma_wait3A_54, %dma_wait3A_55] : memref<2x128x64xf32, #tpu.memory_space<vmem>> -> memref<1x128x64xf32, #tpu.memory_space<vmem>>
    %dma_wait3A_57 = tpu.memref_squeeze %dma_wait3A_56 : memref<1x128x64xf32, #tpu.memory_space<vmem>> -> memref<128x64xf32, #tpu.memory_space<vmem>>
    %dma_wait3A_58 = arith.constant 0 : i32
    %dma_wait3A_59 = arith.constant 0 : i32
    %dma_wait3A_60 = tpu.memref_slice %dma_wait3A_57[%dma_wait3A_58, %dma_wait3A_59] : memref<128x64xf32, #tpu.memory_space<vmem>> -> memref<128x64xf32, #tpu.memory_space<vmem>>
    tpu.wait_dma2 semaphore(%arg9 : memref<!tpu.dma_semaphore, #tpu.memory_space<semaphore_mem>>) src(%dma_wait3A_60 : memref<128x64xf32, #tpu.memory_space<vmem>>) dst(%dma_wait3A_53 : memref<128x64xf32, #tpu.memory_space<hbm>>)
    %dma_wait3A_61 = arith.constant 1 : i32
    %dma_wait3A_62 = arith.constant 0 : i32
    %dma_wait3A_63 = arith.constant 0 : i32
    %dma_wait3A_64 = tpu.memref_slice %arg7[%dma_wait3A_61, %dma_wait3A_62, %dma_wait3A_63] : memref<2x128x64xf32, #tpu.memory_space<vmem>> -> memref<1x128x64xf32, #tpu.memory_space<vmem>>
    %dma_wait3A_65 = tpu.memref_squeeze %dma_wait3A_64 : memref<1x128x64xf32, #tpu.memory_space<vmem>> -> memref<128x64xf32, #tpu.memory_space<vmem>>
    %dma_wait3A_66 = arith.constant 0 : i32
    %dma_wait3A_67 = arith.constant 0 : i32
    %dma_wait3A_68 = tpu.memref_slice %dma_wait3A_65[%dma_wait3A_66, %dma_wait3A_67] : memref<128x64xf32, #tpu.memory_space<vmem>> -> memref<72x64xf32, #tpu.memory_space<vmem>>
    %dma_wait3A_69 = arith.constant 0 : i32
    %dma_wait3A_70 = arith.constant 0 : i32
    %dma_wait3A_71 = tpu.memref_slice %arg4[%dma_wait3A_69, %dma_wait3A_70] : memref<819200x64xf32, #tpu.memory_space<hbm>> -> memref<72x64xf32, #tpu.memory_space<hbm>>
    %dma_wait3A_72 = arith.constant 0 : i32
    %dma_wait3A_73 = arith.constant 0 : i32
    %dma_wait3A_74 = tpu.memref_slice %arg4[%dma_wait3A_72, %dma_wait3A_73] : memref<819200x64xf32, #tpu.memory_space<hbm>> -> memref<72x64xf32, #tpu.memory_space<hbm>>
    %dma_wait3A_75 = arith.constant 0 : i32
    %dma_wait3A_76 = arith.constant 0 : i32
    %dma_wait3A_77 = tpu.memref_slice %arg7[%dma_wait3A_61, %dma_wait3A_75, %dma_wait3A_76] : memref<2x128x64xf32, #tpu.memory_space<vmem>> -> memref<1x128x64xf32, #tpu.memory_space<vmem>>
    %dma_wait3A_78 = tpu.memref_squeeze %dma_wait3A_77 : memref<1x128x64xf32, #tpu.memory_space<vmem>> -> memref<128x64xf32, #tpu.memory_space<vmem>>
    %dma_wait3A_79 = arith.constant 0 : i32
    %dma_wait3A_80 = arith.constant 0 : i32
    %dma_wait3A_81 = tpu.memref_slice %dma_wait3A_78[%dma_wait3A_79, %dma_wait3A_80] : memref<128x64xf32, #tpu.memory_space<vmem>> -> memref<72x64xf32, #tpu.memory_space<vmem>>
    tpu.wait_dma2 semaphore(%arg9 : memref<!tpu.dma_semaphore, #tpu.memory_space<semaphore_mem>>) src(%dma_wait3A_81 : memref<72x64xf32, #tpu.memory_space<vmem>>) dst(%dma_wait3A_74 : memref<72x64xf32, #tpu.memory_space<hbm>>)
    return
  }
}

</mosaic_0001>

<sc_bundles>
// kernel: kernel.3.cloned.1.call-start
scs
__scs_entry_jumppad:
0x0: {  	(pc) =	sbr.rel $0x88, $3  }
0x1: {  	(tag) =	ssettag $0x0;
	lr =	simm.s32 $0x1  }
0x2: {  	[smem:$0x3F9F] =	sst lr;
	_ =	strace $0xD0000000  }
0x3: {  	_ = 	snop  }
0x4: {  	_ = 	snop  }
0x5: {  	_ = 	snop  }
0x6: {  	_ = 	snop  }
0x7: {  	_ = 	snop  }
__scs_overlays_trampoline_lowered:
0x8: {  	[smem:$0x3FAE] =	sst s0  }
0x9: {  	[smem:$0x3FAF] =	sst s1  }
0xa: {  	[smem:$0x3FB0] =	sst s2  }
0xb: {  	[smem:$0x3FB1] =	sst s3  }
0xc: {  	[smem:$0x3FB2] =	sst s4  }
0xd: {  	[smem:$0x3FB3] =	sst s5  }
0xe: {  	[smem:$0x3FB4] =	sst s6  }
0xf: {  	[smem:$0x3FB5] =	sst s7  }
0x10: {  	[smem:$0x3FB6] =	sst s8  }
0x11: {  	[smem:$0x3FB7] =	sst s9;
	s0 =	simm.s32 @!p0 $0x0  }
0x12: {  	s1 =	sld [smem:$0x3F9D];
	s0 =	simm.s32 @p0 $0x1  }
0x13: {  	[smem:$0x3FB8] =	sst s0;
	s0 =	simm.s32 @!p1 $0x0  }
0x14: {  	s2 =	sld [smem:$0x3F9C];
	s0 =	simm.s32 @p1 $0x1  }
0x15: {  	[smem:$0x3FB9] =	sst s0;
	s0 =	simm.s32 @!p2 $0x0  }
0x16: {  	s3 =	sld [smem:$0x3FDB];
	s0 =	simm.s32 @p2 $0x1  }
0x17: {  	s4 =	simm.s32 $0x1BF5;
	[smem:$0x3FBB] =	sst s0  }
0x18: {  	s0 =	sld [smem:$0x3F9E];
	_ =	swait.ge [sflag:s4], $0x0  }
0x19: {  	s7 =	sld [smem:$0x3F9F]  }
0x1a: {  	s8 =	sadd.s32 $0xFFFFE003, lr  }
0x1b: {  	s9 =	sadd.s32 $0xFFFFFEF7, lr;
	s5 =	simm.s32 $0xFFFFFFFF;
	p2 =	slt.u32 s8, $0xFFFFF086  }
0x1c: {  	p1 =	slt.u32 s9, $0xF7A;
	s5 =	simm.s32 @!p2 $0x0  }
0x1d: {  	s5 =	simm.s32 @p1 $0x1;
	p0 =	seq.s32 s7, s2  }
0x1e: {  	s7 =	smul.u32 @!p0 $0xF7A, s2;
	p2 =	seq.s32 @!p0 s5, $0x0  }
0x1f: {  	s9 =	smul.u32 $0xF7A, s1;
	s8 =	simm.s32 @!p0 $0x1BF5;
	p2 =	por !p2, p0  }
0x20: {  	[sflag:s8] =	ssyncset.s32 @!p0 $0xFFFFF086;
	s6 =	sadd.s32 @!p0 s3, s7;
	s7 =	simm.s32 @!p0 $0x108  }
0x21: {  	s3 =	sadd.s32 s3, s9;
	s6 =	sadd.s32 @!p0 $0x88, s6;
	s7 =	simm.s32 @p2 $0x1082  }
0x22: {  	[simem:s7], [sflag:s8] =	dma.local @!p0 [hbm:s6], $0xF7A  }
0x23: {  	s9 =	sor.u32 $0xD0000000, s2;
	s6 =	simm.s32 $0x108;
	_ =	swait.ge @!p0 [sflag:s8], $0x0  }
0x24: {  	s3 =	sadd.s32 $0x88, s3;
	s6 =	simm.s32 @!p1 $0x1082;
	[sflag:s4] =	ssyncset.s32 $0xFFFFF086  }
0x25: {  	[simem:s6], [sflag:s4] =	dma.local [hbm:s3], $0xF7A  }
0x26: {  	[smem:$0x3F9F] =	sst s1;
	(tag) =	ssettag s2;
	_ =	strace s9  }
0x27: {  	s1 =	sld [smem:$0x3FAF]  }
0x28: {  	s2 =	sld [smem:$0x3FB0]  }
0x29: {  	s4 =	sld [smem:$0x3FB2]  }
0x2a: {  	p0 =	seq.s32 s5, $0x0;
	s5 =	sld [smem:$0x3FB3]  }
0x2b: {  	s6 =	sld [smem:$0x3FB4]  }
0x2c: {  	s7 =	sld [smem:$0x3FB5]  }
0x2d: {  	s3 =	simm.s32 $0x108;
	s8 =	sld [smem:$0x3FB6]  }
0x2e: {  	s3 =	simm.s32 @!p0 $0x1082;
	s9 =	sld [smem:$0x3FB7]  }
0x2f: {  	lr =	sadd.s32 s0, s3;
	s0 =	sld [smem:$0x3FAE]  }
0x30: {  	s3 =	sld [smem:$0x3FB1]  }
0x31: {  	[smem:$0x3FBA] =	sst s10  }
0x32: {  	s10 =	sld [smem:$0x3FB8];
	_ =	sdelay $0x3  }
0x33: {  	p0 =	seq.s32 s10, $0x1;
	s10 =	sld [smem:$0x3FBA];
	_ =	sdelay $0x3  }
0x34: {  	[smem:$0x3FBA] =	sst s10  }
0x35: {  	s10 =	sld [smem:$0x3FB9];
	_ =	sdelay $0x3  }
0x36: {  	p1 =	seq.s32 s10, $0x1;
	s10 =	sld [smem:$0x3FBA];
	_ =	sdelay $0x3  }
0x37: {  	[smem:$0x3FBA] =	sst s10  }
0x38: {  	s10 =	sld [smem:$0x3FBB]  }
0x39: {  	_ = 	snop;
	(pc) =	sbr.ind lr, $3  }
0x3a: {  	_ = 	snop  }
0x3b: {  	_ = 	snop  }
0x3c: {  	p2 =	seq.s32 s10, $0x1;
	s10 =	sld [smem:$0x3FBA]  }
0x3d: {  	_ =	shalt  }
0x3e: {  	_ =	shalt  }
0x3f: {  	_ =	shalt  }
0x40: {  	_ =	shalt  }
0x41: {  	_ =	shalt  }
0x42: {  	_ =	shalt  }
0x43: {  	_ =	shalt  }
0x44: {  	_ =	shalt  }
0x45: {  	_ =	shalt  }
0x46: {  	_ =	shalt  }
0x47: {  	_ =	shalt  }
0x48: {  	_ =	shalt  }
0x49: {  	_ =	shalt  }
0x4a: {  	_ =	shalt  }
0x4b: {  	_ =	shalt  }
0x4c: {  	_ =	shalt  }
0x4d: {  	_ =	shalt  }
0x4e: {  	_ =	shalt  }
0x4f: {  	_ =	shalt  }
0x50: {  	_ =	shalt  }
0x51: {  	_ =	shalt  }
0x52: {  	_ =	shalt  }
0x53: {  	_ =	shalt  }
0x54: {  	_ =	shalt  }
0x55: {  	_ =	shalt  }
0x56: {  	_ =	shalt  }
0x57: {  	_ =	shalt  }
0x58: {  	_ =	shalt  }
0x59: {  	_ =	shalt  }
0x5a: {  	_ =	shalt  }
0x5b: {  	_ =	shalt  }
0x5c: {  	_ =	shalt  }
0x5d: {  	_ =	shalt  }
0x5e: {  	_ =	shalt  }
0x5f: {  	_ =	shalt  }
0x60: {  	_ =	shalt  }
0x61: {  	_ =	shalt  }
0x62: {  	_ =	shalt  }
0x63: {  	_ =	shalt  }
0x64: {  	_ =	shalt  }
0x65: {  	_ =	shalt  }
0x66: {  	_ =	shalt  }
0x67: {  	_ =	shalt  }
0x68: {  	_ =	shalt  }
0x69: {  	_ =	shalt  }
0x6a: {  	_ =	shalt  }
0x6b: {  	_ =	shalt  }
0x6c: {  	_ =	shalt  }
0x6d: {  	_ =	shalt  }
0x6e: {  	_ =	shalt  }
0x6f: {  	_ =	shalt  }
0x70: {  	_ =	shalt  }
0x71: {  	_ =	shalt  }
0x72: {  	_ =	shalt  }
0x73: {  	_ =	shalt  }
0x74: {  	_ =	shalt  }
0x75: {  	_ =	shalt  }
0x76: {  	_ =	shalt  }
0x77: {  	_ =	shalt  }
0x78: {  	_ =	shalt  }
0x79: {  	_ =	shalt  }
0x7a: {  	_ =	shalt  }
0x7b: {  	_ =	shalt  }
0x7c: {  	_ =	shalt  }
0x7d: {  	_ =	shalt  }
0x7e: {  	_ =	shalt  }
0x7f: {  	_ =	shalt  }
0x80: {  	_ =	shalt  }
0x81: {  	_ =	shalt  }
0x82: {  	_ =	shalt  }
0x83: {  	_ =	shalt  }
0x84: {  	_ =	shalt  }
0x85: {  	_ =	shalt  }
0x86: {  	_ =	shalt  }
0x87: {  	_ =	shalt  }
.Lfunc_end0:
.L_simem_size_0:
called_computation.1_lowered:
.L_overlay_start_0:
0x88: {  	s2 =	sld [smem:$0x3FD9]  }
0x89: {  	s3 =	sld [smem:$0x3FFE];
	_ =	sdelay $0x1  }
0x8a: {  	s1 =	srdreg.scid  }
0x8b: {  	s0 =	sand.u32 $0x1, s1  }
0x8c: {  	s17 =	sshll.u32 s0, $0xA;
	s2 =	sadd.s32 s3, s2  }
0x8d: {  	s2 =	sadd.s32 s2, s17  }
0x8e: {  	[smem:$0x3FC6] =	sst s2  }
0x8f: {  	_ = 	snop  }
0x90: {  	s2 =	sld [smem:$0x3FD0];
	(tm) =	ssettm $0x1  }
0x91: {  	s18 =	sld [smem:$0x3FFB];
	_ =	sdelay $0x3  }
0x92: {  	_ =	strace s18  }
0x93: {  	s3 =	sld [smem:$0x3FFC];
	_ =	sdelay $0x3  }
0x94: {  	_ =	strace s3  }
0x95: {  	s3 =	sld [smem:$0x3FFD];
	_ =	sdelay $0x3  }
0x96: {  	_ =	strace s3  }
0x97: {  	_ =	strace $0x8FFFFFFF  }
0x98: {  	s19 =	sld [smem:$0x3FDB];
	_ =	sdelay $0x1  }
0x99: {  	s4 =	simm.s32 $_scs_section_size  }
0x9a: {  	s5 =	simm.s32 $_size__tile_overlayer_lowered;
	s6 =	simm.s32 $_tile_overlayer_lowered  }
0x9b: {  	s22 =	simm.s32 $0x1BFF;
	s21 =	sshll.u32 s6, $0x1;
	s3 =	sadd.s32 s4, s19  }
0x9c: {  	s7 =	simm.s32 $0x0;
	s20 =	sshll.u32 s5, $0x1;
	s5 =	sadd.s32 s21, s3  }
0x9d: {  	[timem:s7], [sflag:s22] =	dma.local [hbm:s5], s20  }
0x9e: {  	_ =	swait.ge [sflag:s22], s20  }
0x9f: {  	s4 =	ssub.s32 $0x0, s20;
	[sflag:s22] =	ssyncset.done $0x0  }
0xa0: {  	[sflag:s22] =	ssyncadd.s32 s4;
	_ =	sdelay $0x1  }
0xa1: {  	s23 =	simm.s32 $0x1B8B  }
0xa2: {  	_ =	swait.ge [sflag:s23], $0x1  }
0xa3: {  	[sflag:s23] =	ssyncset.done $0x0  }
0xa4: {  	s25 =	simm.s32 $0x1B8E;
	s24 =	sld [smem:$0x3FFE];
	[sflag:s23] =	ssyncadd.s32 $0xFFFFFFFF  }
0xa5: {  	s26 =	simm.s32 $execute0_lowered;
	[smem:$0x3FD2] =	sst s25  }
0xa6: {  	s5 =	sshll.u32 s26, $0x1;
	_ =	strace $0x80000046;
	[dreg:$0x1] =	wrdreg $0xFFFFFFFF  }
0xa7: {  	s28 =	simm.s32 $_size_execute0_lowered;
	s3 =	sadd.s32 s3, s5;
	[dreg:$0x0] =	wrdreg $0x0  }
0xa8: {  	s5 =	sshll.u32 s28, $0x1;
	[dreg:$0x2] =	wrdreg s3  }
0xa9: {  	[dreg:$0x3] =	wrdreg s5  }
0xaa: {  	[dreg:$0x4] =	wrdreg $0xC0  }
0xab: {  	_ =	task [dreg:s7], $0x5FFFF  }
0xac: {  	[dreg:$0x1] =	wrdreg $0xFFFFFFFF  }
0xad: {  	[dreg:$0x0] =	wrdreg $0x60  }
0xae: {  	[dreg:$0x2] =	wrdreg s24  }
0xaf: {  	[dreg:$0x3] =	wrdreg s2  }
0xb0: {  	[dreg:$0x4] =	wrdreg $0x9  }
0xb1: {  	_ =	task.clear_ibuf [dreg:s7], $0x5FFFF;
	_ =	strace $0x90000046  }
0xb2: {  	s29 =	simm.s32 $0x9;
	_ =	strace $0x80000048  }
0xb3: {  	_ =	swait.ge [sflag:s29], $0x1  }
0xb4: {  	[sflag:s29] =	ssyncadd.s32 $0xFFFFFFFF  }
0xb5: {  	_ =	strace $0x90000048  }
0xb6: {  	_ =	sfence  }
0xb7: {  	s30 =	sld [smem:$0x0];
	_ =	sdelay $0x2  }
0xb8: {  	s31 =	sshll.u32 s1, $0xD;
	s1 =	sshrl.u32 s1, $0x2  }
0xb9: {  	s3 =	sand.u32 $0x4000, s31;
	s1 =	sadd.s32 s1, s30  }
0xba: {  	s0 =	sor.u32 s3, s0;
	s1 =	sshll.u32 s1, $0x11  }
0xbb: {  	s0 =	sor.u32 s1, s0  }
0xbc: {  	s0 =	sadd.s32 $0x8F2B, s0  }
0xbd: {  	[sflag:s0] =	ssyncadd.remote.s32 $0x1  }
0xbe: {  	_ =	sfence.sel $0xFFFF  }
0xbf: {  	[dreg:$0x0] =	wrdreg $0xFFFFFFFF;
	(pc) =	sbr.abs _section_cstart, $3  }
0xc0: {  	[dreg:$0x1] =	wrdreg $0xFFFFFFFF  }
0xc1: {  	_ =	task.clear_ibuf [dreg:s7], $0x2FFFF;
	_ =	strace $0x9FFFFFFF  }
0xc2: {  	(tm) =	ssettm $0x7FFFFFFF  }
0xc3: {  	_ =	shalt  }
tec
execute0_lowered:
.L_overlay_start_1:
0x0: {  	(tag) =	ssettag $0x1  }
0x1: {  	s5 =	rddreg [dreg:$0x0]  }
0x2: {  	s6 =	rddreg [dreg:$0x1]  }
0x3: {  	s0 =	rddreg [dreg:$0x2]  }
0x4: {  	s2 =	simm.s32 $0x0;
	s3 =	srdreg.scid;
	s1 =	stileid.u32  }
0x5: {  	s10 =	simm.s32 $0x8000;
	s11 =	simm.s32 $0xA000;
	s12 =	simm.s32 $0x20  }
0x6: {  	s13 =	simm.s32 $0xC000;
	s14 =	simm.s32 $0x28;
	s15 =	simm.s32 $0xD000  }
0x7: {  	s16 =	simm.s32 $0x1;
	s17 =	simm.s32 $0x10000;
	s18 =	simm.s32 $0x2  }
0x8: {  	s19 =	simm.s32 $0x14000;
	s20 =	simm.s32 $0x0;
	[smem:$0x7FF] =	sst s2  }
0x9: {  	s3 =	sand.u32 $0x1, s3;
	s4 =	sshll.u32 s1, $0x8;
	_ =	strace $0x80000047  }
0xa: {  	s7 =	ssub.s32 $0x2, s3;
	s8 =	sshll.u32 s3, $0x7;
	s3 =	sadd.s32 $0xF43000, s5  }
0xb: {  	s5 =	sadd.s32 $0xA00, s5;
	s9 =	sshrl.u32 s7, $0x1;
	s4 =	sor.u32 s8, s4  }
0xc: {  	s7 =	ssub.s32 s7, s9;
	s8 =	sshll.u32 s4, $0x5;
	s9 =	simm.s32 $0x40  }
0xd: {  	s6 =	sadd.s32 s6, s8;
	s7 =	smax.u32 s7, $0x1;
	s8 =	simm.s32 $0x3  }
.LBB2_1:
0xe: {  	[tilespmem:s2], [sflag:$0x3] =	stream.linear.gather [hbm4b:s6+s2], $0x8000, $0x38;
	[tilespmem:$0x18000] =	vst v63  }
0xf: {  	_ =	swait.ge [sflag:s8], $0x8000  }
0x10: {  	[sflag:s8] =	ssyncset.done $0x0  }
0x11: {  	[sflag:s8] =	ssyncadd.s32 $0xFFFF8000  }
0x12: {  	[tilespmem:s10], [sflag:$0x1] =	stream.indirect.gather [hbm4b:s3+s9], $0x80, s2, s9, $0xb8;
	[tilespmem:$0x18000] =	vst v63  }
0x13: {  	s21 =	simm.s32 $0x0  }
0x14: {  	[tilespmem:s11], [sflag:$0x1] =	stream.indirect.gather [hbm4b:s3+s9], $0x80, s9, s9, $0xb8;
	[tilespmem:$0x18000] =	vst v63  }
.LBB2_2:
0x15: {  	s22 =	sshll.u32 s21, $0x8;
	s23 =	sshll.u32 s21, $0x7  }
0x16: {  	s22 =	sand.u32 $0x7800, s22;
	s23 =	sand.u32 $0x380, s23  }
0x17: {  	s22 =	sor.u32 s23, s22  }
0x18: {  	s23 =	sor.u32 $0x400, s22  }
0x19: {  	[tilespmem:s13], [sflag:$0x1] =	stream.indirect.gather [hbm4b:s3+s12], $0x80, s23, s12, $0xb8;
	[tilespmem:$0x18000] =	vst v63  }
0x1a: {  	s22 =	sor.u32 $0x420, s22  }
0x1b: {  	[tilespmem:s15], [sflag:$0x1] =	stream.indirect.gather [hbm4b:s3+s14], $0x80, s22, s14, $0xb8;
	[tilespmem:$0x18000] =	vst v63  }
0x1c: {  	_ =	swait.ge [sflag:s16], $0x4000  }
0x1d: {  	p0 =	seq.s32 s21, $0x0;
	[sflag:s16] =	ssyncset.done $0x0  }
0x1e: {  	s22 =	simm.s32 @!p0 $0x2;
	[sflag:s16] =	ssyncadd.s32 $0xFFFFC000  }
0x1f: {  	_ =	swait.ge @!p0 [sflag:s22], $0x4000  }
0x20: {  	[sflag:s22] =	ssyncset.done @!p0 $0x0  }
0x21: {  	[sflag:s22] =	ssyncadd.s32 @!p0 $0xFFFFC000;
	s22 =	simm.s32 $0x0  }
0x22: {  	v0 =	vld [tilespmem:s22+$0x81B0]  }
0x23: {  	v1 =	vld [tilespmem:s22+$0x8000]  }
0x24: {  	v2 =	vld [tilespmem:s22+$0x8010]  }
0x25: {  	v3 =	vld [tilespmem:s22+$0x8020]  }
0x26: {  	v4 =	vld [tilespmem:s22+$0x8030]  }
0x27: {  	v5 =	vld [tilespmem:s22+$0x8080];
	[tilespmem:s22+$0x101B0] =	vst v0  }
0x28: {  	[tilespmem:s22+$0x10000] =	vst v1;
	v0 =	vld [tilespmem:s22+$0x8090]  }
0x29: {  	[tilespmem:s22+$0x10010] =	vst v2;
	v1 =	vld [tilespmem:s22+$0x80A0]  }
0x2a: {  	[tilespmem:s22+$0x10020] =	vst v3;
	v2 =	vld [tilespmem:s22+$0x80B0]  }
0x2b: {  	[tilespmem:s22+$0x10030] =	vst v4;
	v3 =	vld [tilespmem:s22+$0x8100]  }
0x2c: {  	[tilespmem:s22+$0x10080] =	vst v5;
	v4 =	vld [tilespmem:s22+$0x8110]  }
0x2d: {  	[tilespmem:s22+$0x10090] =	vst v0;
	v0 =	vld [tilespmem:s22+$0x8120]  }
0x2e: {  	[tilespmem:s22+$0x100A0] =	vst v1;
	v1 =	vld [tilespmem:s22+$0x8130]  }
0x2f: {  	[tilespmem:s22+$0x100B0] =	vst v2;
	v2 =	vld [tilespmem:s22+$0x8180]  }
0x30: {  	[tilespmem:s22+$0x10100] =	vst v3;
	v3 =	vld [tilespmem:s22+$0x8190]  }
0x31: {  	s24 =	simm.s32 $0x1000;
	s23 =	simm.s32 $0x200;
	[tilespmem:s22+$0x10110] =	vst v4;
	v4 =	vld [tilespmem:s22+$0x81A0]  }
.LBB2_3:
0x32: {  	p1 =	sne.s32 s24, $0xF800;
	v5 =	vld [tilespmem:s23+$0x81B0];
	[tilespmem:s22+$0x10120] =	vst v0  }
0x33: {  	v0 =	vld [tilespmem:s23+$0x8000];
	[tilespmem:s22+$0x10130] =	vst v1  }
0x34: {  	v1 =	vld [tilespmem:s23+$0x8010];
	[tilespmem:s22+$0x10180] =	vst v2  }
0x35: {  	v2 =	vld [tilespmem:s23+$0x8020];
	[tilespmem:s22+$0x10190] =	vst v3  }
0x36: {  	v3 =	vld [tilespmem:s23+$0x8030];
	[tilespmem:s22+$0x101A0] =	vst v4;
	s22 =	smov.u32 s23  }
0x37: {  	v4 =	vld [tilespmem:s22+$0x8080];
	[tilespmem:s22+$0x101B0] =	vst v5  }
0x38: {  	[tilespmem:s22+$0x10000] =	vst v0;
	v0 =	vld [tilespmem:s22+$0x8090]  }
0x39: {  	[tilespmem:s22+$0x10010] =	vst v1;
	v1 =	vld [tilespmem:s22+$0x80A0]  }
0x3a: {  	[tilespmem:s22+$0x10020] =	vst v2;
	v2 =	vld [tilespmem:s22+$0x80B0]  }
0x3b: {  	[tilespmem:s22+$0x10030] =	vst v3;
	v3 =	vld [tilespmem:s22+$0x8100]  }
0x3c: {  	[tilespmem:s22+$0x10080] =	vst v4;
	v4 =	vld [tilespmem:s22+$0x8110]  }
.Ltmp0:
0x3d: {  	[tilespmem:s22+$0x10090] =	vst v0;
	v0 =	vld [tilespmem:s22+$0x8120];
	(pc) =	sbr.rel @p1 .LBB2_3-.Ltmp0, $4  }
0x3e: {  	[tilespmem:s22+$0x100A0] =	vst v1;
	v1 =	vld [tilespmem:s22+$0x8130]  }
0x3f: {  	[tilespmem:s22+$0x100B0] =	vst v2;
	v2 =	vld [tilespmem:s22+$0x8180]  }
0x40: {  	[tilespmem:s22+$0x10100] =	vst v3;
	v3 =	vld [tilespmem:s22+$0x8190]  }
0x41: {  	s23 =	sshra.s32 s24, $0x2;
	s24 =	sadd.s32 $0x800, s24;
	[tilespmem:s22+$0x10110] =	vst v4;
	v4 =	vld [tilespmem:s22+$0x81A0]  }
0x42: {  	v5 =	vld [tilespmem:s23+$0x81B0];
	[tilespmem:s22+$0x10120] =	vst v0  }
0x43: {  	v0 =	vld [tilespmem:s23+$0x8000];
	[tilespmem:s22+$0x10130] =	vst v1  }
0x44: {  	v1 =	vld [tilespmem:s23+$0x8010];
	[tilespmem:s22+$0x10180] =	vst v2  }
0x45: {  	v2 =	vld [tilespmem:s23+$0x8020];
	[tilespmem:s22+$0x10190] =	vst v3  }
0x46: {  	v3 =	vld [tilespmem:s23+$0x8030];
	[tilespmem:s22+$0x101A0] =	vst v4  }
0x47: {  	v4 =	vld [tilespmem:s23+$0x8080];
	[tilespmem:s23+$0x101B0] =	vst v5  }
0x48: {  	v54 =	vld [tilespmem:s23+$0x8090];
	[tilespmem:s23+$0x10000] =	vst v0  }
0x49: {  	v55 =	vld [tilespmem:s23+$0x80A0];
	[tilespmem:s23+$0x10010] =	vst v1  }
0x4a: {  	v56 =	vld [tilespmem:s23+$0x80B0];
	[tilespmem:s23+$0x10020] =	vst v2  }
0x4b: {  	v57 =	vld [tilespmem:s23+$0x8100];
	[tilespmem:s23+$0x10030] =	vst v3  }
0x4c: {  	v58 =	vld [tilespmem:s23+$0x8110];
	[tilespmem:s23+$0x10080] =	vst v4  }
0x4d: {  	v59 =	vld [tilespmem:s23+$0x8120];
	[tilespmem:s23+$0x10090] =	vst v54  }
0x4e: {  	v60 =	vld [tilespmem:s23+$0x8130];
	[tilespmem:s23+$0x100A0] =	vst v55  }
0x4f: {  	v61 =	vld [tilespmem:s23+$0x8180];
	[tilespmem:s23+$0x100B0] =	vst v56  }
0x50: {  	v62 =	vld [tilespmem:s23+$0x8190];
	[tilespmem:s23+$0x10100] =	vst v57  }
0x51: {  	v63 =	vld [tilespmem:s23+$0x81A0];
	[tilespmem:s23+$0x10110] =	vst v58  }
0x52: {  	p1 =	sne.s32 s21, $0x7F;
	[tilespmem:s23+$0x10120] =	vst v59  }
.Ltmp1:
0x53: {  	s22 =	sor.u32 s4, s21;
	[tilespmem:s23+$0x10130] =	vst v60;
	(pc) =	sbr.rel @p1 .LBB2_6-.Ltmp1, $4  }
0x54: {  	s24 =	smul.u32 $0xC80, s22;
	[tilespmem:s23+$0x10180] =	vst v61  }
0x55: {  	[tilespmem:s23+$0x10190] =	vst v62  }
0x56: {  	s31 =	sadd.s32 s5, s24;
	[tilespmem:s23+$0x101A0] =	vst v63  }
0x57: {  	[hbm4b:s31+s2] =	stream.linear.scatter [tilespmem:s17], [sflag:$0x2], $0x4000, $0x38;
	[tilespmem:$0x18000] =	vst v63  }
.Ltmp2:
0x58: {  	(pc) =	sbr.rel .LBB2_7-.Ltmp2, $4  }
0x59: {  	_ = 	snop  }
0x5a: {  	_ =	swait.ge [sflag:s16], $0x2400  }
0x5b: {  	[sflag:s16] =	ssyncset.done $0x0  }
0x5c: {  	[sflag:s16] =	ssyncadd.s32 $0xFFFFDC00  }
.LBB2_6:
0x5d: {  	s23 =	sadd.s32 $0x1, s21  }
0x5e: {  	s24 =	sshll.u32 s23, $0x8;
	s23 =	sshll.u32 s23, $0x7  }
0x5f: {  	s24 =	sand.u32 $0xF800, s24;
	s23 =	sand.u32 $0x380, s23  }
0x60: {  	s23 =	sor.u32 s23, s24  }
0x61: {  	[tilespmem:s10], [sflag:$0x1] =	stream.indirect.gather [hbm4b:s3+s9], $0x80, s23, s9, $0xb8;
	[tilespmem:$0x18000] =	vst v63  }
.Ltmp3:
0x62: {  	s23 =	sor.u32 $0x40, s23;
	(pc) =	sbr.rel @p0 .LBB2_8-.Ltmp3, $4  }
0x63: {  	[tilespmem:s11], [sflag:$0x1] =	stream.indirect.gather [hbm4b:s3+s9], $0x80, s23, s9, $0xb8;
	[tilespmem:$0x18000] =	vst v63  }
0x64: {  	_ =	swait.ge [sflag:s16], $0x2400  }
0x65: {  	[sflag:s16] =	ssyncset.done $0x0  }
0x66: {  	[sflag:s16] =	ssyncadd.s32 $0xFFFFDC00  }
.LBB2_7:
0x67: {  	_ =	swait.ge [sflag:s18], $0x2400  }
0x68: {  	[sflag:s18] =	ssyncset.done $0x0  }
0x69: {  	[sflag:s18] =	ssyncadd.s32 $0xFFFFDC00  }
.LBB2_8:
0x6a: {  	s23 =	simm.s32 $0x0  }
0x6b: {  	v0 =	vld [tilespmem:s23+$0xC1B0]  }
0x6c: {  	v1 =	vld [tilespmem:s23+$0xC000]  }
0x6d: {  	v2 =	vld [tilespmem:s23+$0xC010]  }
0x6e: {  	v3 =	vld [tilespmem:s23+$0xC020]  }
0x6f: {  	v4 =	vld [tilespmem:s23+$0xC030]  }
0x70: {  	v5 =	vld [tilespmem:s23+$0xC080];
	[tilespmem:s23+$0x141B0] =	vst v0  }
0x71: {  	[tilespmem:s23+$0x14000] =	vst v1;
	v0 =	vld [tilespmem:s23+$0xC090]  }
0x72: {  	[tilespmem:s23+$0x14010] =	vst v2;
	v1 =	vld [tilespmem:s23+$0xC0A0]  }
0x73: {  	[tilespmem:s23+$0x14020] =	vst v3;
	v2 =	vld [tilespmem:s23+$0xC0B0]  }
0x74: {  	[tilespmem:s23+$0x14030] =	vst v4;
	v3 =	vld [tilespmem:s23+$0xC100]  }
0x75: {  	[tilespmem:s23+$0x14080] =	vst v5;
	v4 =	vld [tilespmem:s23+$0xC110]  }
0x76: {  	[tilespmem:s23+$0x14090] =	vst v0;
	v0 =	vld [tilespmem:s23+$0xC120]  }
0x77: {  	[tilespmem:s23+$0x140A0] =	vst v1;
	v1 =	vld [tilespmem:s23+$0xC130]  }
0x78: {  	[tilespmem:s23+$0x140B0] =	vst v2;
	v2 =	vld [tilespmem:s23+$0xC180]  }
0x79: {  	[tilespmem:s23+$0x14100] =	vst v3;
	v3 =	vld [tilespmem:s23+$0xC190]  }
0x7a: {  	s24 =	simm.s32 $0x200;
	s25 =	simm.s32 $0x1000;
	[tilespmem:s23+$0x14110] =	vst v4;
	v4 =	vld [tilespmem:s23+$0xC1A0]  }
.LBB2_9:
0x7b: {  	p0 =	sne.s32 s25, $0x8800;
	v5 =	vld [tilespmem:s24+$0xC1B0];
	[tilespmem:s23+$0x14120] =	vst v0  }
0x7c: {  	v0 =	vld [tilespmem:s24+$0xC000];
	[tilespmem:s23+$0x14130] =	vst v1  }
0x7d: {  	v1 =	vld [tilespmem:s24+$0xC010];
	[tilespmem:s23+$0x14180] =	vst v2  }
0x7e: {  	v2 =	vld [tilespmem:s24+$0xC020];
	[tilespmem:s23+$0x14190] =	vst v3  }
0x7f: {  	v3 =	vld [tilespmem:s24+$0xC030];
	[tilespmem:s23+$0x141A0] =	vst v4;
	s23 =	smov.u32 s24  }
0x80: {  	v4 =	vld [tilespmem:s23+$0xC080];
	[tilespmem:s23+$0x141B0] =	vst v5  }
0x81: {  	[tilespmem:s23+$0x14000] =	vst v0;
	v0 =	vld [tilespmem:s23+$0xC090]  }
0x82: {  	[tilespmem:s23+$0x14010] =	vst v1;
	v1 =	vld [tilespmem:s23+$0xC0A0]  }
0x83: {  	[tilespmem:s23+$0x14020] =	vst v2;
	v2 =	vld [tilespmem:s23+$0xC0B0]  }
0x84: {  	[tilespmem:s23+$0x14030] =	vst v3;
	v3 =	vld [tilespmem:s23+$0xC100]  }
0x85: {  	[tilespmem:s23+$0x14080] =	vst v4;
	v4 =	vld [tilespmem:s23+$0xC110]  }
.Ltmp4:
0x86: {  	[tilespmem:s23+$0x14090] =	vst v0;
	v0 =	vld [tilespmem:s23+$0xC120];
	(pc) =	sbr.rel @p0 .LBB2_9-.Ltmp4, $4  }
0x87: {  	[tilespmem:s23+$0x140A0] =	vst v1;
	v1 =	vld [tilespmem:s23+$0xC130]  }
0x88: {  	[tilespmem:s23+$0x140B0] =	vst v2;
	v2 =	vld [tilespmem:s23+$0xC180]  }
0x89: {  	[tilespmem:s23+$0x14100] =	vst v3;
	v3 =	vld [tilespmem:s23+$0xC190]  }
0x8a: {  	s24 =	sshra.s32 s25, $0x2;
	s25 =	sadd.s32 $0x800, s25;
	[tilespmem:s23+$0x14110] =	vst v4;
	v4 =	vld [tilespmem:s23+$0xC1A0]  }
0x8b: {  	v5 =	vld [tilespmem:s24+$0xC1B0];
	[tilespmem:s23+$0x14120] =	vst v0  }
0x8c: {  	v0 =	vld [tilespmem:s24+$0xC000];
	[tilespmem:s23+$0x14130] =	vst v1  }
0x8d: {  	v1 =	vld [tilespmem:s24+$0xC010];
	[tilespmem:s23+$0x14180] =	vst v2  }
0x8e: {  	v2 =	vld [tilespmem:s24+$0xC020];
	[tilespmem:s23+$0x14190] =	vst v3  }
0x8f: {  	v3 =	vld [tilespmem:s24+$0xC030];
	[tilespmem:s23+$0x141A0] =	vst v4  }
0x90: {  	v4 =	vld [tilespmem:s24+$0xC080];
	[tilespmem:s24+$0x141B0] =	vst v5  }
0x91: {  	v54 =	vld [tilespmem:s24+$0xC090];
	[tilespmem:s24+$0x14000] =	vst v0  }
0x92: {  	v55 =	vld [tilespmem:s24+$0xC0A0];
	[tilespmem:s24+$0x14010] =	vst v1  }
0x93: {  	v56 =	vld [tilespmem:s24+$0xC0B0];
	[tilespmem:s24+$0x14020] =	vst v2  }
0x94: {  	v57 =	vld [tilespmem:s24+$0xC100];
	[tilespmem:s24+$0x14030] =	vst v3  }
0x95: {  	v58 =	vld [tilespmem:s24+$0xC110];
	[tilespmem:s24+$0x14080] =	vst v4  }
0x96: {  	v59 =	vld [tilespmem:s24+$0xC120];
	[tilespmem:s24+$0x14090] =	vst v54  }
0x97: {  	v60 =	vld [tilespmem:s24+$0xC130];
	[tilespmem:s24+$0x140A0] =	vst v55  }
0x98: {  	v61 =	vld [tilespmem:s24+$0xC180];
	[tilespmem:s24+$0x140B0] =	vst v56  }
0x99: {  	v62 =	vld [tilespmem:s24+$0xC190];
	[tilespmem:s24+$0x14100] =	vst v57  }
0x9a: {  	s21 =	sadd.s32 $0x1, s21;
	v63 =	vld [tilespmem:s24+$0xC1A0];
	[tilespmem:s24+$0x14110] =	vst v58  }
0x9b: {  	s22 =	smul.u32 $0x6400, s22;
	p0 =	sne.s32 s21, $0x80;
	[tilespmem:s24+$0x14120] =	vst v59  }
.Ltmp5:
0x9c: {  	[tilespmem:s24+$0x14130] =	vst v60;
	(pc) =	sbr.rel @p0 .LBB2_2-.Ltmp5, $4  }
0x9d: {  	s22 =	sshrl.u32 s22, $0x3;
	[tilespmem:s24+$0x14180] =	vst v61  }
0x9e: {  	s22 =	sadd.s32 s5, s22;
	[tilespmem:s24+$0x14190] =	vst v62  }
0x9f: {  	s22 =	sadd.s32 $0x800, s22;
	[tilespmem:s24+$0x141A0] =	vst v63  }
0xa0: {  	[hbm4b:s22+s2] =	stream.linear.scatter [tilespmem:s19], [sflag:$0x2], $0x2400, $0x38;
	[tilespmem:$0x18000] =	vst v63  }
0xa1: {  	s20 =	sadd.s32 $0x1, s20  }
0xa2: {  	_ =	swait.ge [sflag:s18], $0x4000;
	p0 =	sne.s32 s20, s7  }
.Ltmp6:
0xa3: {  	[sflag:s18] =	ssyncset.done $0x0;
	(pc) =	sbr.rel @p0 .LBB2_1-.Ltmp6, $4  }
0xa4: {  	[sflag:s18] =	ssyncadd.s32 $0xFFFFC000  }
0xa5: {  	_ =	swait.ge [sflag:s18], $0x2400  }
0xa6: {  	[sflag:s18] =	ssyncset.done $0x0  }
0xa7: {  	[sflag:s18] =	ssyncadd.s32 $0xFFFFDC00  }
0xa8: {  	_ =	sfence.sel $0x180000  }
0xa9: {  	[bflag:$0x0] =	sbarrier.arrive $0xFFFF  }
0xaa: {  	p0 =	sne.s32 s1, $0x0;
	_ =	strace $0x90000047  }
0xab: {  	s0 =	sadd.s32 @!p0 $0x100000, s0;
	[bflag:$0x2] =	sbarrier.arrive $0xFFFF  }
0xac: {  	[sflag:s0] =	ssyncadd.tile.s32 @!p0 $0x1;
	_ =	shalt  }
.Lfunc_end2:
_tile_overlayer_lowered:
.L_overlay_start_2:
0xad: {  	(tag) =	ssettag $0x2  }
0xae: {  	s0 =	rddreg [dreg:$0x0];
	s2 =	stileid.u32  }
0xaf: {  	s1 =	rddreg [dreg:$0x1];
	p0 =	sne.s32 s2, $0x0  }
0xb0: {  	s3 =	rddreg [dreg:$0x2];
	[bflag:$0x3] =	sbarrier.arrive $0xFFFF;
	s2 =	simm.s32 @!p0 $0x1C03  }
0xb1: {  	[timem:s3], [sflag:s2] =	dma.local @!p0 [hbm:s0], s1  }
0xb2: {  	s0 =	simm.s32 @!p0 $0x3  }
0xb3: {  	_ =	swait.ge @!p0 [sflag:s0], s1  }
0xb4: {  	s1 =	ssub.s32 @!p0 $0x0, s1;
	[sflag:s0] =	ssyncset.done @!p0 $0x0  }
0xb5: {  	[sflag:s0] =	ssyncadd.s32 @!p0 s1  }
0xb6: {  	[bflag:$0x3] =	sbarrier.arrive $0xFFFF  }
0xb7: {  	_ =	shalt  }

// kernel: sparse-core-data-format-call.cloned.1.call-start
scs
called_computation_lowered:
.L_overlay_start_0:
0x0: {  	s2 =	sld [smem:$0x3FD9]  }
0x1: {  	s3 =	sld [smem:$0x3FFE];
	_ =	sdelay $0x1  }
0x2: {  	s1 =	srdreg.scid  }
0x3: {  	s0 =	sand.u32 $0x1, s1  }
0x4: {  	s18 =	sshll.u32 s0, $0xA;
	s2 =	sadd.s32 s3, s2  }
0x5: {  	s2 =	sadd.s32 s2, s18  }
0x6: {  	[smem:$0x3FC6] =	sst s2  }
0x7: {  	_ = 	snop  }
0x8: {  	s2 =	sld [smem:$0x3FD0];
	(tm) =	ssettm $0x1  }
0x9: {  	s19 =	sld [smem:$0x3FFB];
	_ =	sdelay $0x3  }
0xa: {  	_ =	strace s19  }
0xb: {  	s3 =	sld [smem:$0x3FFC];
	_ =	sdelay $0x3  }
0xc: {  	_ =	strace s3  }
0xd: {  	s3 =	sld [smem:$0x3FFD];
	_ =	sdelay $0x3  }
0xe: {  	_ =	strace s3  }
0xf: {  	_ =	strace $0x8FFFFFFF  }
0x10: {  	s20 =	sld [smem:$0x3FDB];
	_ =	sdelay $0x1  }
0x11: {  	s4 =	simm.s32 $_scs_section_size  }
0x12: {  	s5 =	simm.s32 $_size__tile_overlayer_lowered;
	s6 =	simm.s32 $_tile_overlayer_lowered  }
0x13: {  	s23 =	simm.s32 $0x1BFF;
	s22 =	sshll.u32 s6, $0x1;
	s3 =	sadd.s32 s4, s20  }
0x14: {  	s7 =	simm.s32 $0x0;
	s21 =	sshll.u32 s5, $0x1;
	s5 =	sadd.s32 s22, s3  }
0x15: {  	[timem:s7], [sflag:s23] =	dma.local [hbm:s5], s21  }
0x16: {  	_ =	swait.ge [sflag:s23], s21  }
0x17: {  	s4 =	ssub.s32 $0x0, s21;
	[sflag:s23] =	ssyncset.done $0x0  }
0x18: {  	[sflag:s23] =	ssyncadd.s32 s4;
	_ =	sdelay $0x1  }
0x19: {  	s24 =	simm.s32 $0x1B8B  }
0x1a: {  	_ =	swait.ge [sflag:s24], $0x1  }
0x1b: {  	[sflag:s24] =	ssyncset.done $0x0  }
0x1c: {  	s26 =	simm.s32 $0x1B8E;
	s25 =	sld [smem:$0x3FFE];
	[sflag:s24] =	ssyncadd.s32 $0xFFFFFFFF  }
0x1d: {  	s27 =	simm.s32 $execute0_lowered;
	[smem:$0x3FD2] =	sst s26  }
0x1e: {  	s5 =	sshll.u32 s27, $0x1;
	_ =	strace $0x80000049;
	[dreg:$0x1] =	wrdreg $0xFFFFFFFF  }
0x1f: {  	s28 =	simm.s32 $_size_execute0_lowered;
	s3 =	sadd.s32 s3, s5;
	[dreg:$0x0] =	wrdreg $0x0  }
0x20: {  	s5 =	sshll.u32 s28, $0x1;
	[dreg:$0x2] =	wrdreg s3  }
0x21: {  	[dreg:$0x3] =	wrdreg s5  }
0x22: {  	[dreg:$0x4] =	wrdreg $0xC0  }
0x23: {  	_ =	task [dreg:s7], $0x5FFFF  }
0x24: {  	[dreg:$0x1] =	wrdreg $0xFFFFFFFF  }
0x25: {  	[dreg:$0x0] =	wrdreg $0x60  }
0x26: {  	[dreg:$0x2] =	wrdreg s25  }
0x27: {  	[dreg:$0x3] =	wrdreg s2  }
0x28: {  	[dreg:$0x4] =	wrdreg $0x9  }
0x29: {  	_ =	task.clear_ibuf [dreg:s7], $0x5FFFF;
	_ =	strace $0x90000049  }
0x2a: {  	s29 =	simm.s32 $0x9;
	_ =	strace $0x8000004B  }
0x2b: {  	_ =	swait.ge [sflag:s29], $0x1  }
0x2c: {  	[sflag:s29] =	ssyncadd.s32 $0xFFFFFFFF  }
0x2d: {  	_ =	strace $0x9000004B  }
0x2e: {  	_ =	sfence  }
0x2f: {  	s30 =	sld [smem:$0x0];
	_ =	sdelay $0x2  }
0x30: {  	s31 =	sshll.u32 s1, $0xD;
	s1 =	sshrl.u32 s1, $0x2  }
0x31: {  	s3 =	sand.u32 $0x4000, s31;
	s1 =	sadd.s32 s1, s30  }
0x32: {  	s0 =	sor.u32 s3, s0;
	s1 =	sshll.u32 s1, $0x11  }
0x33: {  	s0 =	sor.u32 s1, s0  }
0x34: {  	s0 =	sadd.s32 $0x8F2B, s0  }
0x35: {  	[sflag:s0] =	ssyncadd.remote.s32 $0x1  }
0x36: {  	_ =	sfence.sel $0xFFFF  }
0x37: {  	[dreg:$0x0] =	wrdreg $0xFFFFFFFF;
	(pc) =	sbr.abs _section_cstart, $3  }
0x38: {  	[dreg:$0x1] =	wrdreg $0xFFFFFFFF  }
0x39: {  	_ =	task.clear_ibuf [dreg:s7], $0x2FFFF;
	_ =	strace $0x9FFFFFFF  }
0x3a: {  	(tm) =	ssettm $0x7FFFFFFF  }
0x3b: {  	_ =	shalt  }
tec
execute0_lowered:
.L_overlay_start_1:
0x0: {  	(tag) =	ssettag $0x1  }
0x1: {  	s0 =	srdreg.scid  }
0x2: {  	s1 =	sshll.u32 s0, $0x4  }
0x3: {  	s0 =	stileid.u32;
	s1 =	sand.u32 $0x10, s1  }
0x4: {  	s1 =	sor.u32 s0, s1  }
0x5: {  	s6 =	rddreg [dreg:$0x0];
	s4 =	simm.s32 $0x1;
	s2 =	sshll.u32 s1, $0x7  }
0x6: {  	s7 =	simm.s32 $0x2;
	s12 =	simm.s32 $0x0;
	s1 =	ssub.s32 $0x1000, s2  }
0x7: {  	s8 =	simm.s32 $0x8000;
	s13 =	simm.s32 $0x0;
	s3 =	sand.u32 $0xF80, s1  }
0x8: {  	s9 =	simm.s32 $0x0;
	s5 =	sshrl.u32 s1, $0xC;
	p0 =	sne.s32 s3, $0x0  }
.Ltmp0:
0x9: {  	s1 =	rddreg [dreg:$0x2];
	s4 =	simm.s32 @!p0 $0x0;
	(pc) =	sbr.rel .LBB1_1-.Ltmp0, $4  }
0xa: {  	s11 =	simm.s32 $0x0;
	s3 =	rddreg [dreg:$0x1];
	s5 =	sadd.s32 s4, s5  }
0xb: {  	_ =	strace $0x8000004A;
	s4 =	simm.s32 $0x1;
	s5 =	smul.u32 $0xC8, s5  }
0xc: {  	s6 =	sadd.s32 $0xA00, s6;
	s10 =	smov.u32 s2;
	[sflag:s4] =	ssyncpa.u1 $0x0  }
0xd: {  	p0 =	por $0x0, $0x0;
	[sflag:s7] =	ssyncpa.u1 $0x0;
	s7 =	sor.u32 $0x1, s5  }
.LBB1_4:
0xe: {  	s16 =	sshll.u32 s13, $0x3;
	s17 =	sand.u32 $0x78, s13  }
0xf: {  	s30 =	sand.u32 $0x7E00, s13;
	s12 =	sshll.u32 s12, $0xF;
	s16 =	sand.u32 $0xC00, s16  }
0x10: {  	[tilespmem:s15+$0x810 ss:$0x81] =	vst.msk $0xffff, v2;
	s31 =	sand.u32 $0x7, s13;
	s16 =	sor.u32 s17, s16;
	s17 =	sadd.s32 s3, s30  }
0x11: {  	[tilespmem:s15+$0x1020 ss:$0x81] =	vst.msk $0xffff, v0;
	s13 =	sshll.u32 s31, $0x12;
	s12 =	sadd.s32 s12, s17;
	s16 =	sshrl.u32 s16, $0x3  }
0x12: {  	[tilespmem:s15+$0x0 ss:$0x81] =	vst.msk $0xffff, v1;
	s13 =	sor.u32 $0x400, s13;
	s12 =	sadd.s32 s16, s12  }
0x13: {  	[hbm4b:s12+s13] =	stream.strided.scatter [tilespmem:s14], [sflag:$0x2], $0x2000, s8, s13, $0x20;
	[tilespmem:$0x8080] =	vst v63  }
.LBB1_5:
0x14: {  	s14 =	sadd.s32 $0x1, s9  }
0x15: {  	s12 =	sadd.s32 $0x1000, s10;
	s16 =	smov.u32 s10;
	p2 =	sgt.s32 s14, $0xC7  }
0x16: {  	s16 =	smov.u32 @p2 s12  }
0x17: {  	s14 =	simm.s32 @p2 $0x0;
	p2 =	sgt.s32 s16, $0xFFF  }
0x18: {  	s16 =	smov.u32 @p2 s2;
	p2 =	sne.s32 s11, s7  }
.Ltmp1:
0x19: {  	p1 =	slt.u32 s11, $0x2;
	(pc) =	sbr.rel @!p2 .LBB1_6-.Ltmp1, $4  }
0x1a: {  	s15 =	simm.s32 @!p1 $0x2  }
0x1b: {  	s13 =	smov.u32 s10;
	p0 =	por !p0, !p0;
	_ =	swait.ge @!p1 [sflag:s15], $0x2000  }
0x1c: {  	s12 =	smov.u32 s9;
	[sflag:s15] =	ssyncset.done @!p1 $0x0;
	s9 =	smov.u32 s14  }
0x1d: {  	s11 =	sadd.s32 $0x1, s11;
	[sflag:s15] =	ssyncadd.s32 @!p1 $0xFFFFE000;
	s10 =	smov.u32 s16  }
.LBB1_1:
0x1e: {  	p1 =	sge.u32 s11, s5  }
0x1f: {  	s14 =	sand.u32 @!p1 $0x1FFFFFF, s9  }
0x20: {  	s15 =	smulhi.u32 @!p1 $0x147AE15, s14;
	_ =	sdelay $0x1  }
0x21: {  	s15 =	smul.u32 @!p1 $0xC8, s15  }
0x22: {  	s16 =	sxor.u32 @!p1 $0xFFFFFFFF, s11;
	s17 =	smul.u32 @!p1 $0xC80, s10  }
0x23: {  	s31 =	sadd.s32 $0xFFFFFFFF, s11;
	s16 =	sshll.u32 @!p1 s16, $0xD;
	s14 =	ssub.s32 @!p1 s14, s15  }
0x24: {  	s15 =	sand.u32 @!p1 $0x2000, s16;
	s16 =	sadd.s32 @!p1 s6, s17;
	s14 =	sshll.u32 @!p1 s14, $0x4  }
0x25: {  	s17 =	simm.s32 @!p1 $0x6400;
	s14 =	sadd.s32 @!p1 s14, s16;
	s16 =	simm.s32 @!p1 $0x40  }
0x26: {  	[tilespmem:s15], [sflag:$0x1] =	stream.strided.gather @!p1 [hbm4b:s14+s16], $0x2000, s17, s16, $0x38;
	[tilespmem:$0x8080] =	vst v63  }
0x27: {  	p1 =	sge.u32 s31, s5  }
.Ltmp2:
0x28: {  	_ = 	snop;
	(pc) =	sbr.rel @p1 .LBB1_5-.Ltmp2, $1  }
0x29: {  	_ =	sdelay $0x3  }
0x2a: {  	s14 =	simm.s32 $0x1  }
0x2b: {  	_ =	swait.ge [sflag:s4], $0x2000;
	s14 =	simm.s32 @!p0 $0x0  }
0x2c: {  	[sflag:s4] =	ssyncset.done $0x0;
	s15 =	sshll.u32 s14, $0xD  }
0x2d: {  	[sflag:s4] =	ssyncadd.s32 $0xFFFFE000;
	s18 =	sor.u32 $0x20, s15  }
0x2e: {  	s14 =	smul.u32 $0x8100, s14;
	v3 =	vld [tilespmem:s18+$0x10]  }
0x2f: {  	s30 =	sand.u32 $0x1, s11;
	v2 =	vld [tilespmem:s18+$0xFFFFFFF0]  }
0x30: {  	s15 =	smul.u32 $0x8100, s30;
	s14 =	sshrl.u32 s14, $0x2;
	v0 =	vld [tilespmem:s18+$0x0]  }
0x31: {  	v1 =	vld [tilespmem:s18+$0xFFFFFFE0];
	s16 =	sor.u32 $0x4000, s14  }
0x32: {  	s31 =	sshrl.u32 s15, $0x2;
	s15 =	sadd.s32 $0x0, s16  }
0x33: {  	s17 =	simm.s32 $0x4;
	s18 =	sadd.s32 $0x40, s18;
	s14 =	sor.u32 $0x4000, s31;
	[tilespmem:s15+$0x1830 ss:$0x81] =	vst.msk $0xffff, v3  }
.LBB1_3:
0x34: {  	v3 =	vld [tilespmem:s18+$0x10];
	p1 =	sne.s32 s17, $0x1FC;
	[tilespmem:s15+$0x810 ss:$0x81] =	vst.msk $0xffff, v2;
	s19 =	smov.u32 s17;
	s17 =	sadd.s32 $0x4, s17  }
.Ltmp3:
0x35: {  	v2 =	vld [tilespmem:s18+$0xFFFFFFF0];
	[tilespmem:s15+$0x1020 ss:$0x81] =	vst.msk $0xffff, v0;
	(pc) =	sbr.rel @p1 .LBB1_3-.Ltmp3, $4  }
0x36: {  	v0 =	vld [tilespmem:s18+$0x0];
	[tilespmem:s15+$0x0 ss:$0x81] =	vst.msk $0xffff, v1  }
0x37: {  	s15 =	sshra.s32 s19, $0x2;
	v1 =	vld [tilespmem:s18+$0xFFFFFFE0]  }
0x38: {  	s15 =	sadd.s32 s15, s16  }
0x39: {  	s18 =	sadd.s32 $0x40, s18;
	[tilespmem:s15+$0x1830 ss:$0x81] =	vst.msk $0xffff, v3  }
.Ltmp4:
0x3a: {  	_ = 	snop;
	(pc) =	sbr.rel .LBB1_4-.Ltmp4, $1  }
0x3b: {  	_ =	sdelay $0x3  }
.LBB1_6:
0x3c: {  	_ =	sfence.sel $0x180000  }
0x3d: {  	s2 =	simm.s32 $0x1;
	[bflag:$0x0] =	sbarrier.arrive $0xFFFF  }
0x3e: {  	s31 =	simm.s32 $0x2;
	[sflag:s2] =	ssyncpa.u1 $0x1  }
0x3f: {  	[sflag:s31] =	ssyncpa.u1 $0x1  }
0x40: {  	p0 =	sne.s32 s0, $0x0;
	_ =	strace $0x9000004A  }
0x41: {  	s0 =	sadd.s32 @!p0 $0x100000, s1;
	[bflag:$0x2] =	sbarrier.arrive $0xFFFF  }
0x42: {  	[sflag:s0] =	ssyncadd.tile.s32 @!p0 $0x1;
	_ =	shalt  }
.Lfunc_end1:
_tile_overlayer_lowered:
.L_overlay_start_2:
0x43: {  	(tag) =	ssettag $0x2  }
0x44: {  	s0 =	rddreg [dreg:$0x0];
	s2 =	stileid.u32  }
0x45: {  	s1 =	rddreg [dreg:$0x1];
	p0 =	sne.s32 s2, $0x0  }
0x46: {  	s3 =	rddreg [dreg:$0x2];
	[bflag:$0x3] =	sbarrier.arrive $0xFFFF;
	s2 =	simm.s32 @!p0 $0x1C01  }
0x47: {  	[timem:s3], [sflag:s2] =	dma.local @!p0 [hbm:s0], s1  }
0x48: {  	s0 =	simm.s32 @!p0 $0x1  }
0x49: {  	_ =	swait.ge @!p0 [sflag:s0], s1  }
0x4a: {  	s1 =	ssub.s32 @!p0 $0x0, s1;
	[sflag:s0] =	ssyncset.done @!p0 $0x0  }
0x4b: {  	[sflag:s0] =	ssyncadd.s32 @!p0 s1  }
0x4c: {  	[bflag:$0x3] =	sbarrier.arrive $0xFFFF  }
0x4d: {  	_ =	shalt  }

</sc_bundles>
